<compile_context>
chip_gen: v7x
topology: tpu7x:2x2x1
jax: 0.10.2.dev20260603
libtpu: 0.0.44.dev20260713+nightly
codegen_flags: <defaults>
</compile_context>

<pallas_src>
import functools

import jax
import jax.numpy as jnp
from jax import lax
from jax.experimental import pallas as pl
from jax.experimental.pallas import tpu as pltpu
from jax.experimental.pallas import tpu_sc as plsc

B = 16384
D = 32
H = 64
NU = 200000
NC = 2
NS = 16
CPS = D // NC
L = 16
CH = 102784
CHA = 102400
SPLIT = 102400
LO2 = 97280
TLO = 199680
NH = 2
BH = B // NH


@functools.cache
def _make_sc_gather():
    mesh = plsc.VectorSubcoreMesh(core_axis_name="c", subcore_axis_name="s")

    @functools.partial(
        pl.kernel,
        mesh=mesh,
        out_type=jax.ShapeDtypeStruct((2 * D, B), jnp.float32),
        scratch_types=[
            pltpu.VMEM((CH,), jnp.float32),
            pltpu.VMEM((NU - TLO,), jnp.float32),
            pltpu.VMEM((BH,), jnp.int32),
            pltpu.VMEM((B,), jnp.float32),
            pltpu.SemaphoreType.DMA,
        ],
        compiler_params=pltpu.CompilerParams(needs_layout_passes=False),
    )
    def _sc_gather(uid_hbm, tableT_hbm, uvT_hbm, chunk_v, tail_v, uidh_v,
                   out_v, sem):
        cid = lax.axis_index("c")
        sid = lax.axis_index("s")
        c = cid * CPS + sid
        pltpu.sync_copy(tableT_hbm.at[c, pl.ds(TLO, NU - TLO)], tail_v)
        NSUB = 4
        SUB = CHA // NSUB
        for p, lo in enumerate((0, LO2)):
            copies = [
                pltpu.async_copy(
                    tableT_hbm.at[c, pl.ds(lo + s * SUB, SUB)],
                    chunk_v.at[pl.ds(s * SUB, SUB)], sem)
                for s in range(NSUB)
            ]
            for cp in copies:
                cp.wait()
            if p == 1:
                for k in range((NU - TLO) // L):
                    chunk_v[pl.ds(CHA + k * L, L)] = tail_v[pl.ds(k * L, L)]
            for hh in range(NH):
                hb = hh * BH
                pltpu.sync_copy(uid_hbm.at[pl.ds(hb, BH)], uidh_v)

                UNR = 4

                def it(i, p=p, hb=hb, lo=lo):
                    for j in range(UNR):
                        sl = pl.ds((i * UNR + j) * L, L)
                        u = uidh_v[sl]
                        osl = pl.ds(hb + (i * UNR + j) * L, L)
                        if p == 0:
                            m = u < SPLIT
                            g = plsc.load_gather(chunk_v, [u], mask=m)
                            out_v[osl] = jnp.where(m, g, jnp.zeros_like(g))
                        else:
                            m = u >= SPLIT
                            g = plsc.load_gather(chunk_v, [u - lo], mask=m)
                            out_v[osl] = jnp.where(m, g, out_v[osl])

                pl.loop(0, BH // (L * UNR))(it)
        pltpu.sync_copy(out_v, uvT_hbm.at[c])

    return _sc_gather


def _mlp_body(acc_ref, p_ref, e_ref, i_ref, mv_ref, w1t_ref, b1_ref,
              w2t_ref, b2_ref, out_ref):
    del acc_ref
    s0 = lax.rsqrt(mv_ref[3] + 1e-7)
    s1 = lax.rsqrt(mv_ref[4] + 1e-7)
    s2 = lax.rsqrt(mv_ref[5] + 1e-7)
    pn = (p_ref[:] - mv_ref[0]) * s0
    en = (e_ref[:] - mv_ref[1]) * s1
    inn = (i_ref[:] - mv_ref[2]) * s2
    hT = (w1t_ref[:, 0:1] * pn + w1t_ref[:, 1:2] * en
          + w1t_ref[:, 2:3] * inn + b1_ref[:])
    hT = jnp.maximum(hT, 0.0)
    bioT = jnp.dot(w2t_ref[:], hT, preferred_element_type=jnp.float32)
    out_ref[:] = bioT + b2_ref[:]


_BLK = 16384


def _tc_mlp(outT0, P, E, I, mv, W1T, b1c, W2T, b2c):
    return pl.pallas_call(
        _mlp_body,
        grid=(B // _BLK,),
        in_specs=[
            pl.BlockSpec(memory_space=pl.ANY),
            pl.BlockSpec((_BLK,), lambda i: (i,)),
            pl.BlockSpec((_BLK,), lambda i: (i,)),
            pl.BlockSpec((_BLK,), lambda i: (i,)),
            pl.BlockSpec(memory_space=pltpu.SMEM),
            pl.BlockSpec((H, 3), lambda i: (0, 0)),
            pl.BlockSpec((H, 1), lambda i: (0, 0)),
            pl.BlockSpec((D, H), lambda i: (0, 0)),
            pl.BlockSpec((D, 1), lambda i: (0, 0)),
        ],
        out_specs=pl.BlockSpec((D, _BLK), lambda i: (1, i)),
        out_shape=jax.ShapeDtypeStruct((2 * D, B), jnp.float32),
        input_output_aliases={0: 0},
    )(outT0, P, E, I, mv, W1T, b1c, W2T, b2c)


def kernel(user_id, P, E, I, emb_table, norm_mean, norm_var, W1, b1, W2, b2):
    tableT = emb_table.T
    outT0 = _make_sc_gather()(user_id, tableT)
    mv = jnp.concatenate([norm_mean, norm_var])
    outT = _tc_mlp(outT0, P, E, I, mv,
                   W1.T, b1.reshape(H, 1), W2.T, b2.reshape(D, 1))
    return outT.T

# --- scband reference (transcript-rebuilt; emitter-appended) ---
"""Pipeline reference for scband-user-model-54881092108973 (READ-ONLY COPY).

The authoritative reference and input builder live on the scoring server;
editing this copy changes nothing except your own understanding.
"""

import jax, jax.numpy as jnp
import numpy as np

NUM_USER = 200000
EMB_DIM = 32
BATCH = 16384

def setup_inputs(seed: int = 0) -> dict:
    key = jax.random.key(seed)
    ks = jax.random.split(key, 12)
    user_id = jax.random.randint(ks[0], (BATCH,), 0, NUM_USER, dtype=jnp.int64 if jax.config.jax_enable_x64 else jnp.int32).astype(jnp.int32)
    P = jax.random.normal(ks[1], (BATCH,), dtype=jnp.float32)
    E = jax.random.normal(ks[2], (BATCH,), dtype=jnp.float32)
    I = jax.random.normal(ks[3], (BATCH,), dtype=jnp.float32)
    emb_table = jax.random.normal(ks[4], (NUM_USER, EMB_DIM), dtype=jnp.float32) * 0.05
    norm_mean = jnp.zeros((3,), dtype=jnp.float32)
    norm_var = jnp.ones((3,), dtype=jnp.float32)
    W1 = jax.random.normal(ks[5], (3, 64), dtype=jnp.float32) * (1.0 / np.sqrt(3.0))
    b1 = jnp.zeros((64,), dtype=jnp.float32)
    W2 = jax.random.normal(ks[6], (64, EMB_DIM), dtype=jnp.float32) * (1.0 / np.sqrt(64.0))
    b2 = jnp.zeros((EMB_DIM,), dtype=jnp.float32)
    return {"user_id": user_id, "P": P, "E": E, "I": I,
            "emb_table": emb_table, "norm_mean": norm_mean, "norm_var": norm_var,
            "W1": W1, "b1": b1, "W2": W2, "b2": b2}

def reference(user_id, P, E, I, emb_table, norm_mean, norm_var, W1, b1, W2, b2):
    # user embedding lookup (Hashing layer maps strings -> [0, num_user); here ids are already in-range ints)
    user_vec = jnp.take(emb_table, user_id, axis=0)  # [B, 32]
    # bio features: reshape to [-1,1] and concat -> [B, 3]
    p = jnp.reshape(P, (-1, 1))
    e = jnp.reshape(E, (-1, 1))
    i = jnp.reshape(I, (-1, 1))
    bio_comb = jnp.concatenate([p, e, i], axis=1)
    # keras Normalization: (x - mean) / sqrt(var)
    bio_norm = (bio_comb - norm_mean) / jnp.sqrt(norm_var + 1e-7)
    h = jax.nn.relu(bio_norm @ W1 + b1)
    bio_vec = h @ W2 + b2  # [B, 32]
    return jnp.concatenate([user_vec, bio_vec], axis=1)  # [B, 64]

if __name__ == "__main__":
    import jax
    _d = setup_inputs()
    print(jax.jit(kernel)(*tuple(_d.values())))

</pallas_src>

<mosaic_0001>
#map = affine_map<(d0, d1) -> (0)>
#map1 = affine_map<(d0, d1) -> (0, 0)>
module attributes {stable_mosaic.version = 14 : i64} {
  func.func @_sc_gather(%arg0: i32, %arg1: i32, %arg2: memref<16384xi32, #tpu.memory_space<hbm>>, %arg3: memref<32x200000xf32, #tpu.memory_space<hbm>>, %arg4: memref<64x16384xf32, #tpu.memory_space<hbm>>, %arg5: memref<102784xf32, #tpu.memory_space<vmem>>, %arg6: memref<320xf32, #tpu.memory_space<vmem>>, %arg7: memref<8192xi32, #tpu.memory_space<vmem>>, %arg8: memref<16384xf32, #tpu.memory_space<vmem>>, %arg9: memref<!tpu.dma_semaphore, #tpu.memory_space<semaphore_mem>>) attributes {dimension_semantics = [#tpu.dimension_semantics<core_parallel>, #tpu.dimension_semantics<subcore_parallel>], iteration_bounds = array<i64: 2, 16>, scalar_prefetch = 0 : i64, scratch_operands = 5 : i64, tpu.core_type = #tpu.core_type<sc_vector_subcore>, window_params = [{transform_indices = #map}, {transform_indices = #map1}, {transform_indices = #map1}]} {
    %mul3A = arith.constant 16 : i32
    %mul3A_0 = arith.muli %arg0, %mul3A : i32
    %add3A = arith.addi %mul3A_0, %arg1 : i32
    "tpu.region"() ({
      %run_scoped3A = tpu.sem_alloc : memref<!tpu.dma_semaphore, #tpu.memory_space<semaphore_mem>>
      %dma_start3A_256 = arith.constant 199680 : i32
      %dma_start3A_257 = tpu.memref_slice %arg3[%add3A, %dma_start3A_256] : memref<32x200000xf32, #tpu.memory_space<hbm>> -> memref<1x320xf32, #tpu.memory_space<hbm>>
      %dma_start3A_258 = tpu.memref_squeeze %dma_start3A_257 : memref<1x320xf32, #tpu.memory_space<hbm>> -> memref<320xf32, #tpu.memory_space<hbm>>
      %dma_start3A_259 = arith.constant 199680 : i32
      %dma_start3A_260 = tpu.memref_slice %arg3[%add3A, %dma_start3A_259] : memref<32x200000xf32, #tpu.memory_space<hbm>> -> memref<1x320xf32, #tpu.memory_space<hbm>>
      %dma_start3A_261 = tpu.memref_squeeze %dma_start3A_260 : memref<1x320xf32, #tpu.memory_space<hbm>> -> memref<320xf32, #tpu.memory_space<hbm>>
      tpu.enqueue_dma source(%dma_start3A_261 : memref<320xf32, #tpu.memory_space<hbm>>) target(%arg6 : memref<320xf32, #tpu.memory_space<vmem>>) target_semaphore(%run_scoped3A : memref<!tpu.dma_semaphore, #tpu.memory_space<semaphore_mem>>)
      %dma_wait3A_262 = arith.constant 199680 : i32
      %dma_wait3A_263 = tpu.memref_slice %arg3[%add3A, %dma_wait3A_262] : memref<32x200000xf32, #tpu.memory_space<hbm>> -> memref<1x320xf32, #tpu.memory_space<hbm>>
      %dma_wait3A_264 = tpu.memref_squeeze %dma_wait3A_263 : memref<1x320xf32, #tpu.memory_space<hbm>> -> memref<320xf32, #tpu.memory_space<hbm>>
      %dma_wait3A_265 = arith.constant 199680 : i32
      %dma_wait3A_266 = tpu.memref_slice %arg3[%add3A, %dma_wait3A_265] : memref<32x200000xf32, #tpu.memory_space<hbm>> -> memref<1x320xf32, #tpu.memory_space<hbm>>
      %dma_wait3A_267 = tpu.memref_squeeze %dma_wait3A_266 : memref<1x320xf32, #tpu.memory_space<hbm>> -> memref<320xf32, #tpu.memory_space<hbm>>
      tpu.wait_dma2 semaphore(%run_scoped3A : memref<!tpu.dma_semaphore, #tpu.memory_space<semaphore_mem>>) src(%dma_wait3A_267 : memref<320xf32, #tpu.memory_space<hbm>>) dst(%arg6 : memref<320xf32, #tpu.memory_space<vmem>>)
      tpu.yield
    }) : () -> ()
    %dma_start3A = arith.constant 0 : i32
    %dma_start3A_1 = tpu.memref_slice %arg5[%dma_start3A] : memref<102784xf32, #tpu.memory_space<vmem>> -> memref<25600xf32, #tpu.memory_space<vmem>>
    %dma_start3A_2 = arith.constant 0 : i32
    %dma_start3A_3 = tpu.memref_slice %arg3[%add3A, %dma_start3A_2] : memref<32x200000xf32, #tpu.memory_space<hbm>> -> memref<1x25600xf32, #tpu.memory_space<hbm>>
    %dma_start3A_4 = tpu.memref_squeeze %dma_start3A_3 : memref<1x25600xf32, #tpu.memory_space<hbm>> -> memref<25600xf32, #tpu.memory_space<hbm>>
    %dma_start3A_5 = arith.constant 0 : i32
    %dma_start3A_6 = tpu.memref_slice %arg5[%dma_start3A_5] : memref<102784xf32, #tpu.memory_space<vmem>> -> memref<25600xf32, #tpu.memory_space<vmem>>
    %dma_start3A_7 = arith.constant 0 : i32
    %dma_start3A_8 = tpu.memref_slice %arg3[%add3A, %dma_start3A_7] : memref<32x200000xf32, #tpu.memory_space<hbm>> -> memref<1x25600xf32, #tpu.memory_space<hbm>>
    %dma_start3A_9 = tpu.memref_squeeze %dma_start3A_8 : memref<1x25600xf32, #tpu.memory_space<hbm>> -> memref<25600xf32, #tpu.memory_space<hbm>>
    tpu.enqueue_dma source(%dma_start3A_9 : memref<25600xf32, #tpu.memory_space<hbm>>) target(%dma_start3A_6 : memref<25600xf32, #tpu.memory_space<vmem>>) target_semaphore(%arg9 : memref<!tpu.dma_semaphore, #tpu.memory_space<semaphore_mem>>)
    %dma_start3A_10 = arith.constant 25600 : i32
    %dma_start3A_11 = tpu.memref_slice %arg5[%dma_start3A_10] : memref<102784xf32, #tpu.memory_space<vmem>> -> memref<25600xf32, #tpu.memory_space<vmem>>
    %dma_start3A_12 = arith.constant 25600 : i32
    %dma_start3A_13 = tpu.memref_slice %arg3[%add3A, %dma_start3A_12] : memref<32x200000xf32, #tpu.memory_space<hbm>> -> memref<1x25600xf32, #tpu.memory_space<hbm>>
    %dma_start3A_14 = tpu.memref_squeeze %dma_start3A_13 : memref<1x25600xf32, #tpu.memory_space<hbm>> -> memref<25600xf32, #tpu.memory_space<hbm>>
    %dma_start3A_15 = arith.constant 25600 : i32
    %dma_start3A_16 = tpu.memref_slice %arg5[%dma_start3A_15] : memref<102784xf32, #tpu.memory_space<vmem>> -> memref<25600xf32, #tpu.memory_space<vmem>>
    %dma_start3A_17 = arith.constant 25600 : i32
    %dma_start3A_18 = tpu.memref_slice %arg3[%add3A, %dma_start3A_17] : memref<32x200000xf32, #tpu.memory_space<hbm>> -> memref<1x25600xf32, #tpu.memory_space<hbm>>
    %dma_start3A_19 = tpu.memref_squeeze %dma_start3A_18 : memref<1x25600xf32, #tpu.memory_space<hbm>> -> memref<25600xf32, #tpu.memory_space<hbm>>
    tpu.enqueue_dma source(%dma_start3A_19 : memref<25600xf32, #tpu.memory_space<hbm>>) target(%dma_start3A_16 : memref<25600xf32, #tpu.memory_space<vmem>>) target_semaphore(%arg9 : memref<!tpu.dma_semaphore, #tpu.memory_space<semaphore_mem>>)
    %dma_start3A_20 = arith.constant 51200 : i32
    %dma_start3A_21 = tpu.memref_slice %arg5[%dma_start3A_20] : memref<102784xf32, #tpu.memory_space<vmem>> -> memref<25600xf32, #tpu.memory_space<vmem>>
    %dma_start3A_22 = arith.constant 51200 : i32
    %dma_start3A_23 = tpu.memref_slice %arg3[%add3A, %dma_start3A_22] : memref<32x200000xf32, #tpu.memory_space<hbm>> -> memref<1x25600xf32, #tpu.memory_space<hbm>>
    %dma_start3A_24 = tpu.memref_squeeze %dma_start3A_23 : memref<1x25600xf32, #tpu.memory_space<hbm>> -> memref<25600xf32, #tpu.memory_space<hbm>>
    %dma_start3A_25 = arith.constant 51200 : i32
    %dma_start3A_26 = tpu.memref_slice %arg5[%dma_start3A_25] : memref<102784xf32, #tpu.memory_space<vmem>> -> memref<25600xf32, #tpu.memory_space<vmem>>
    %dma_start3A_27 = arith.constant 51200 : i32
    %dma_start3A_28 = tpu.memref_slice %arg3[%add3A, %dma_start3A_27] : memref<32x200000xf32, #tpu.memory_space<hbm>> -> memref<1x25600xf32, #tpu.memory_space<hbm>>
    %dma_start3A_29 = tpu.memref_squeeze %dma_start3A_28 : memref<1x25600xf32, #tpu.memory_space<hbm>> -> memref<25600xf32, #tpu.memory_space<hbm>>
    tpu.enqueue_dma source(%dma_start3A_29 : memref<25600xf32, #tpu.memory_space<hbm>>) target(%dma_start3A_26 : memref<25600xf32, #tpu.memory_space<vmem>>) target_semaphore(%arg9 : memref<!tpu.dma_semaphore, #tpu.memory_space<semaphore_mem>>)
    %dma_start3A_30 = arith.constant 76800 : i32
    %dma_start3A_31 = tpu.memref_slice %arg5[%dma_start3A_30] : memref<102784xf32, #tpu.memory_space<vmem>> -> memref<25600xf32, #tpu.memory_space<vmem>>
    %dma_start3A_32 = arith.constant 76800 : i32
    %dma_start3A_33 = tpu.memref_slice %arg3[%add3A, %dma_start3A_32] : memref<32x200000xf32, #tpu.memory_space<hbm>> -> memref<1x25600xf32, #tpu.memory_space<hbm>>
    %dma_start3A_34 = tpu.memref_squeeze %dma_start3A_33 : memref<1x25600xf32, #tpu.memory_space<hbm>> -> memref<25600xf32, #tpu.memory_space<hbm>>
    %dma_start3A_35 = arith.constant 76800 : i32
    %dma_start3A_36 = tpu.memref_slice %arg5[%dma_start3A_35] : memref<102784xf32, #tpu.memory_space<vmem>> -> memref<25600xf32, #tpu.memory_space<vmem>>
    %dma_start3A_37 = arith.constant 76800 : i32
    %dma_start3A_38 = tpu.memref_slice %arg3[%add3A, %dma_start3A_37] : memref<32x200000xf32, #tpu.memory_space<hbm>> -> memref<1x25600xf32, #tpu.memory_space<hbm>>
    %dma_start3A_39 = tpu.memref_squeeze %dma_start3A_38 : memref<1x25600xf32, #tpu.memory_space<hbm>> -> memref<25600xf32, #tpu.memory_space<hbm>>
    tpu.enqueue_dma source(%dma_start3A_39 : memref<25600xf32, #tpu.memory_space<hbm>>) target(%dma_start3A_36 : memref<25600xf32, #tpu.memory_space<vmem>>) target_semaphore(%arg9 : memref<!tpu.dma_semaphore, #tpu.memory_space<semaphore_mem>>)
    %dma_wait3A = arith.constant 0 : i32
    %dma_wait3A_40 = tpu.memref_slice %arg5[%dma_wait3A] : memref<102784xf32, #tpu.memory_space<vmem>> -> memref<25600xf32, #tpu.memory_space<vmem>>
    %dma_wait3A_41 = arith.constant 0 : i32
    %dma_wait3A_42 = tpu.memref_slice %arg3[%add3A, %dma_wait3A_41] : memref<32x200000xf32, #tpu.memory_space<hbm>> -> memref<1x25600xf32, #tpu.memory_space<hbm>>
    %dma_wait3A_43 = tpu.memref_squeeze %dma_wait3A_42 : memref<1x25600xf32, #tpu.memory_space<hbm>> -> memref<25600xf32, #tpu.memory_space<hbm>>
    %dma_wait3A_44 = arith.constant 0 : i32
    %dma_wait3A_45 = tpu.memref_slice %arg5[%dma_wait3A_44] : memref<102784xf32, #tpu.memory_space<vmem>> -> memref<25600xf32, #tpu.memory_space<vmem>>
    %dma_wait3A_46 = arith.constant 0 : i32
    %dma_wait3A_47 = tpu.memref_slice %arg3[%add3A, %dma_wait3A_46] : memref<32x200000xf32, #tpu.memory_space<hbm>> -> memref<1x25600xf32, #tpu.memory_space<hbm>>
    %dma_wait3A_48 = tpu.memref_squeeze %dma_wait3A_47 : memref<1x25600xf32, #tpu.memory_space<hbm>> -> memref<25600xf32, #tpu.memory_space<hbm>>
    tpu.wait_dma2 semaphore(%arg9 : memref<!tpu.dma_semaphore, #tpu.memory_space<semaphore_mem>>) src(%dma_wait3A_48 : memref<25600xf32, #tpu.memory_space<hbm>>) dst(%dma_wait3A_45 : memref<25600xf32, #tpu.memory_space<vmem>>)
    %dma_wait3A_49 = arith.constant 25600 : i32
    %dma_wait3A_50 = tpu.memref_slice %arg5[%dma_wait3A_49] : memref<102784xf32, #tpu.memory_space<vmem>> -> memref<25600xf32, #tpu.memory_space<vmem>>
    %dma_wait3A_51 = arith.constant 25600 : i32
    %dma_wait3A_52 = tpu.memref_slice %arg3[%add3A, %dma_wait3A_51] : memref<32x200000xf32, #tpu.memory_space<hbm>> -> memref<1x25600xf32, #tpu.memory_space<hbm>>
    %dma_wait3A_53 = tpu.memref_squeeze %dma_wait3A_52 : memref<1x25600xf32, #tpu.memory_space<hbm>> -> memref<25600xf32, #tpu.memory_space<hbm>>
    %dma_wait3A_54 = arith.constant 25600 : i32
    %dma_wait3A_55 = tpu.memref_slice %arg5[%dma_wait3A_54] : memref<102784xf32, #tpu.memory_space<vmem>> -> memref<25600xf32, #tpu.memory_space<vmem>>
    %dma_wait3A_56 = arith.constant 25600 : i32
    %dma_wait3A_57 = tpu.memref_slice %arg3[%add3A, %dma_wait3A_56] : memref<32x200000xf32, #tpu.memory_space<hbm>> -> memref<1x25600xf32, #tpu.memory_space<hbm>>
    %dma_wait3A_58 = tpu.memref_squeeze %dma_wait3A_57 : memref<1x25600xf32, #tpu.memory_space<hbm>> -> memref<25600xf32, #tpu.memory_space<hbm>>
    tpu.wait_dma2 semaphore(%arg9 : memref<!tpu.dma_semaphore, #tpu.memory_space<semaphore_mem>>) src(%dma_wait3A_58 : memref<25600xf32, #tpu.memory_space<hbm>>) dst(%dma_wait3A_55 : memref<25600xf32, #tpu.memory_space<vmem>>)
    %dma_wait3A_59 = arith.constant 51200 : i32
    %dma_wait3A_60 = tpu.memref_slice %arg5[%dma_wait3A_59] : memref<102784xf32, #tpu.memory_space<vmem>> -> memref<25600xf32, #tpu.memory_space<vmem>>
    %dma_wait3A_61 = arith.constant 51200 : i32
    %dma_wait3A_62 = tpu.memref_slice %arg3[%add3A, %dma_wait3A_61] : memref<32x200000xf32, #tpu.memory_space<hbm>> -> memref<1x25600xf32, #tpu.memory_space<hbm>>
    %dma_wait3A_63 = tpu.memref_squeeze %dma_wait3A_62 : memref<1x25600xf32, #tpu.memory_space<hbm>> -> memref<25600xf32, #tpu.memory_space<hbm>>
    %dma_wait3A_64 = arith.constant 51200 : i32
    %dma_wait3A_65 = tpu.memref_slice %arg5[%dma_wait3A_64] : memref<102784xf32, #tpu.memory_space<vmem>> -> memref<25600xf32, #tpu.memory_space<vmem>>
    %dma_wait3A_66 = arith.constant 51200 : i32
    %dma_wait3A_67 = tpu.memref_slice %arg3[%add3A, %dma_wait3A_66] : memref<32x200000xf32, #tpu.memory_space<hbm>> -> memref<1x25600xf32, #tpu.memory_space<hbm>>
    %dma_wait3A_68 = tpu.memref_squeeze %dma_wait3A_67 : memref<1x25600xf32, #tpu.memory_space<hbm>> -> memref<25600xf32, #tpu.memory_space<hbm>>
    tpu.wait_dma2 semaphore(%arg9 : memref<!tpu.dma_semaphore, #tpu.memory_space<semaphore_mem>>) src(%dma_wait3A_68 : memref<25600xf32, #tpu.memory_space<hbm>>) dst(%dma_wait3A_65 : memref<25600xf32, #tpu.memory_space<vmem>>)
    %dma_wait3A_69 = arith.constant 76800 : i32
    %dma_wait3A_70 = tpu.memref_slice %arg5[%dma_wait3A_69] : memref<102784xf32, #tpu.memory_space<vmem>> -> memref<25600xf32, #tpu.memory_space<vmem>>
    %dma_wait3A_71 = arith.constant 76800 : i32
    %dma_wait3A_72 = tpu.memref_slice %arg3[%add3A, %dma_wait3A_71] : memref<32x200000xf32, #tpu.memory_space<hbm>> -> memref<1x25600xf32, #tpu.memory_space<hbm>>
    %dma_wait3A_73 = tpu.memref_squeeze %dma_wait3A_72 : memref<1x25600xf32, #tpu.memory_space<hbm>> -> memref<25600xf32, #tpu.memory_space<hbm>>
    %dma_wait3A_74 = arith.constant 76800 : i32
    %dma_wait3A_75 = tpu.memref_slice %arg5[%dma_wait3A_74] : memref<102784xf32, #tpu.memory_space<vmem>> -> memref<25600xf32, #tpu.memory_space<vmem>>
    %dma_wait3A_76 = arith.constant 76800 : i32
    %dma_wait3A_77 = tpu.memref_slice %arg3[%add3A, %dma_wait3A_76] : memref<32x200000xf32, #tpu.memory_space<hbm>> -> memref<1x25600xf32, #tpu.memory_space<hbm>>
    %dma_wait3A_78 = tpu.memref_squeeze %dma_wait3A_77 : memref<1x25600xf32, #tpu.memory_space<hbm>> -> memref<25600xf32, #tpu.memory_space<hbm>>
    tpu.wait_dma2 semaphore(%arg9 : memref<!tpu.dma_semaphore, #tpu.memory_space<semaphore_mem>>) src(%dma_wait3A_78 : memref<25600xf32, #tpu.memory_space<hbm>>) dst(%dma_wait3A_75 : memref<25600xf32, #tpu.memory_space<vmem>>)
    "tpu.region"() ({
      %run_scoped3A = tpu.sem_alloc : memref<!tpu.dma_semaphore, #tpu.memory_space<semaphore_mem>>
      %dma_start3A_256 = arith.constant 0 : i32
      %dma_start3A_257 = tpu.memref_slice %arg2[%dma_start3A_256] : memref<16384xi32, #tpu.memory_space<hbm>> -> memref<8192xi32, #tpu.memory_space<hbm>>
      %dma_start3A_258 = arith.constant 0 : i32
      %dma_start3A_259 = tpu.memref_slice %arg2[%dma_start3A_258] : memref<16384xi32, #tpu.memory_space<hbm>> -> memref<8192xi32, #tpu.memory_space<hbm>>
      tpu.enqueue_dma source(%dma_start3A_259 : memref<8192xi32, #tpu.memory_space<hbm>>) target(%arg7 : memref<8192xi32, #tpu.memory_space<vmem>>) target_semaphore(%run_scoped3A : memref<!tpu.dma_semaphore, #tpu.memory_space<semaphore_mem>>)
      %dma_wait3A_260 = arith.constant 0 : i32
      %dma_wait3A_261 = tpu.memref_slice %arg2[%dma_wait3A_260] : memref<16384xi32, #tpu.memory_space<hbm>> -> memref<8192xi32, #tpu.memory_space<hbm>>
      %dma_wait3A_262 = arith.constant 0 : i32
      %dma_wait3A_263 = tpu.memref_slice %arg2[%dma_wait3A_262] : memref<16384xi32, #tpu.memory_space<hbm>> -> memref<8192xi32, #tpu.memory_space<hbm>>
      tpu.wait_dma2 semaphore(%run_scoped3A : memref<!tpu.dma_semaphore, #tpu.memory_space<semaphore_mem>>) src(%dma_wait3A_263 : memref<8192xi32, #tpu.memory_space<hbm>>) dst(%arg7 : memref<8192xi32, #tpu.memory_space<vmem>>)
      tpu.yield
    }) : () -> ()
    %scan3A = arith.constant 0 : i32
    %scan3A_79 = arith.constant 128 : i32
    %scan3A_80 = arith.addi %scan3A, %scan3A_79 : i32
    %scan3A_81 = arith.constant 1 : i32
    scf.for %scan3A_256 = %scan3A to %scan3A_80 step %scan3A_81  : i32 {
      %mul3A_257 = arith.constant 1 : i32
      %mul3A_258 = arith.muli %scan3A_256, %mul3A_257 : i32
      %add3A_259 = arith.constant 0 : i32
      %add3A_260 = arith.addi %add3A_259, %mul3A_258 : i32
      %mul3A_261 = arith.constant 4 : i32
      %mul3A_262 = arith.muli %add3A_260, %mul3A_261 : i32
      %add3A_263 = arith.constant 0 : i32
      %add3A_264 = arith.addi %mul3A_262, %add3A_263 : i32
      %mul3A_265 = arith.constant 16 : i32
      %mul3A_266 = arith.muli %add3A_264, %mul3A_265 : i32
      %get3A_267 = arith.index_cast %mul3A_266 : i32 to index
      %get3A_268 = tpu.vector_load %arg7[%get3A_267] {strides = array<i32>} : memref<8192xi32, #tpu.memory_space<vmem>>, vector<16xi32>,
      %mul3A_269 = arith.constant 4 : i32
      %mul3A_270 = arith.muli %add3A_260, %mul3A_269 : i32
      %add3A_271 = arith.constant 0 : i32
      %add3A_272 = arith.addi %mul3A_270, %add3A_271 : i32
      %mul3A_273 = arith.constant 16 : i32
      %mul3A_274 = arith.muli %add3A_272, %mul3A_273 : i32
      %add3A_275 = arith.constant 0 : i32
      %add3A_276 = arith.addi %add3A_275, %mul3A_274 : i32
      %lt3A = arith.constant 102400 : i32
      %lt3A_277 = vector.broadcast %lt3A : i32 to vector<16xi32>
      %lt3A_278 = arith.cmpi slt, %get3A_268, %lt3A_277 : vector<16xi32>
      %gather3A = tpu.vector_load_idx %arg5[%get3A_268] masked %lt3A_278 : memref<102784xf32, #tpu.memory_space<vmem>>[vector<16xi32>], vector<16xf32>, vector<16xi1>
      %broadcast_in_dim3A = arith.constant 0.000000e+00 : f32
      %broadcast_in_dim3A_279 = vector.broadcast %broadcast_in_dim3A : f32 to vector<16xf32>
      %select_n3A = arith.select %lt3A_278, %gather3A, %broadcast_in_dim3A_279 : vector<16xi1>, vector<16xf32>
      %swap3A_280 = arith.index_cast %add3A_276 : i32 to index
      %swap3A_281 = tpu.vector_load %arg8[%swap3A_280] {strides = array<i32>} : memref<16384xf32, #tpu.memory_space<vmem>>, vector<16xf32>,
      tpu.vector_store %arg8[%swap3A_280], %select_n3A {strides = array<i32>} : memref<16384xf32, #tpu.memory_space<vmem>>, vector<16xf32>,
      %mul3A_282 = arith.constant 4 : i32
      %mul3A_283 = arith.muli %add3A_260, %mul3A_282 : i32
      %add3A_284 = arith.constant 1 : i32
      %add3A_285 = arith.addi %mul3A_283, %add3A_284 : i32
      %mul3A_286 = arith.constant 16 : i32
      %mul3A_287 = arith.muli %add3A_285, %mul3A_286 : i32
      %get3A_288 = arith.index_cast %mul3A_287 : i32 to index
      %get3A_289 = tpu.vector_load %arg7[%get3A_288] {strides = array<i32>} : memref<8192xi32, #tpu.memory_space<vmem>>, vector<16xi32>,
      %mul3A_290 = arith.constant 4 : i32
      %mul3A_291 = arith.muli %add3A_260, %mul3A_290 : i32
      %add3A_292 = arith.constant 1 : i32
      %add3A_293 = arith.addi %mul3A_291, %add3A_292 : i32
      %mul3A_294 = arith.constant 16 : i32
      %mul3A_295 = arith.muli %add3A_293, %mul3A_294 : i32
      %add3A_296 = arith.constant 0 : i32
      %add3A_297 = arith.addi %add3A_296, %mul3A_295 : i32
      %lt3A_298 = arith.constant 102400 : i32
      %lt3A_299 = vector.broadcast %lt3A_298 : i32 to vector<16xi32>
      %lt3A_300 = arith.cmpi slt, %get3A_289, %lt3A_299 : vector<16xi32>
      %gather3A_301 = tpu.vector_load_idx %arg5[%get3A_289] masked %lt3A_300 : memref<102784xf32, #tpu.memory_space<vmem>>[vector<16xi32>], vector<16xf32>, vector<16xi1>
      %broadcast_in_dim3A_302 = arith.constant 0.000000e+00 : f32
      %broadcast_in_dim3A_303 = vector.broadcast %broadcast_in_dim3A_302 : f32 to vector<16xf32>
      %select_n3A_304 = arith.select %lt3A_300, %gather3A_301, %broadcast_in_dim3A_303 : vector<16xi1>, vector<16xf32>
      %swap3A_305 = arith.index_cast %add3A_297 : i32 to index
      %swap3A_306 = tpu.vector_load %arg8[%swap3A_305] {strides = array<i32>} : memref<16384xf32, #tpu.memory_space<vmem>>, vector<16xf32>,
      tpu.vector_store %arg8[%swap3A_305], %select_n3A_304 {strides = array<i32>} : memref<16384xf32, #tpu.memory_space<vmem>>, vector<16xf32>,
      %mul3A_307 = arith.constant 4 : i32
      %mul3A_308 = arith.muli %add3A_260, %mul3A_307 : i32
      %add3A_309 = arith.constant 2 : i32
      %add3A_310 = arith.addi %mul3A_308, %add3A_309 : i32
      %mul3A_311 = arith.constant 16 : i32
      %mul3A_312 = arith.muli %add3A_310, %mul3A_311 : i32
      %get3A_313 = arith.index_cast %mul3A_312 : i32 to index
      %get3A_314 = tpu.vector_load %arg7[%get3A_313] {strides = array<i32>} : memref<8192xi32, #tpu.memory_space<vmem>>, vector<16xi32>,
      %mul3A_315 = arith.constant 4 : i32
      %mul3A_316 = arith.muli %add3A_260, %mul3A_315 : i32
      %add3A_317 = arith.constant 2 : i32
      %add3A_318 = arith.addi %mul3A_316, %add3A_317 : i32
      %mul3A_319 = arith.constant 16 : i32
      %mul3A_320 = arith.muli %add3A_318, %mul3A_319 : i32
      %add3A_321 = arith.constant 0 : i32
      %add3A_322 = arith.addi %add3A_321, %mul3A_320 : i32
      %lt3A_323 = arith.constant 102400 : i32
      %lt3A_324 = vector.broadcast %lt3A_323 : i32 to vector<16xi32>
      %lt3A_325 = arith.cmpi slt, %get3A_314, %lt3A_324 : vector<16xi32>
      %gather3A_326 = tpu.vector_load_idx %arg5[%get3A_314] masked %lt3A_325 : memref<102784xf32, #tpu.memory_space<vmem>>[vector<16xi32>], vector<16xf32>, vector<16xi1>
      %broadcast_in_dim3A_327 = arith.constant 0.000000e+00 : f32
      %broadcast_in_dim3A_328 = vector.broadcast %broadcast_in_dim3A_327 : f32 to vector<16xf32>
      %select_n3A_329 = arith.select %lt3A_325, %gather3A_326, %broadcast_in_dim3A_328 : vector<16xi1>, vector<16xf32>
      %swap3A_330 = arith.index_cast %add3A_322 : i32 to index
      %swap3A_331 = tpu.vector_load %arg8[%swap3A_330] {strides = array<i32>} : memref<16384xf32, #tpu.memory_space<vmem>>, vector<16xf32>,
      tpu.vector_store %arg8[%swap3A_330], %select_n3A_329 {strides = array<i32>} : memref<16384xf32, #tpu.memory_space<vmem>>, vector<16xf32>,
      %mul3A_332 = arith.constant 4 : i32
      %mul3A_333 = arith.muli %add3A_260, %mul3A_332 : i32
      %add3A_334 = arith.constant 3 : i32
      %add3A_335 = arith.addi %mul3A_333, %add3A_334 : i32
      %mul3A_336 = arith.constant 16 : i32
      %mul3A_337 = arith.muli %add3A_335, %mul3A_336 : i32
      %get3A_338 = arith.index_cast %mul3A_337 : i32 to index
      %get3A_339 = tpu.vector_load %arg7[%get3A_338] {strides = array<i32>} : memref<8192xi32, #tpu.memory_space<vmem>>, vector<16xi32>,
      %mul3A_340 = arith.constant 4 : i32
      %mul3A_341 = arith.muli %add3A_260, %mul3A_340 : i32
      %add3A_342 = arith.constant 3 : i32
      %add3A_343 = arith.addi %mul3A_341, %add3A_342 : i32
      %mul3A_344 = arith.constant 16 : i32
      %mul3A_345 = arith.muli %add3A_343, %mul3A_344 : i32
      %add3A_346 = arith.constant 0 : i32
      %add3A_347 = arith.addi %add3A_346, %mul3A_345 : i32
      %lt3A_348 = arith.constant 102400 : i32
      %lt3A_349 = vector.broadcast %lt3A_348 : i32 to vector<16xi32>
      %lt3A_350 = arith.cmpi slt, %get3A_339, %lt3A_349 : vector<16xi32>
      %gather3A_351 = tpu.vector_load_idx %arg5[%get3A_339] masked %lt3A_350 : memref<102784xf32, #tpu.memory_space<vmem>>[vector<16xi32>], vector<16xf32>, vector<16xi1>
      %broadcast_in_dim3A_352 = arith.constant 0.000000e+00 : f32
      %broadcast_in_dim3A_353 = vector.broadcast %broadcast_in_dim3A_352 : f32 to vector<16xf32>
      %select_n3A_354 = arith.select %lt3A_350, %gather3A_351, %broadcast_in_dim3A_353 : vector<16xi1>, vector<16xf32>
      %swap3A_355 = arith.index_cast %add3A_347 : i32 to index
      %swap3A_356 = tpu.vector_load %arg8[%swap3A_355] {strides = array<i32>} : memref<16384xf32, #tpu.memory_space<vmem>>, vector<16xf32>,
      tpu.vector_store %arg8[%swap3A_355], %select_n3A_354 {strides = array<i32>} : memref<16384xf32, #tpu.memory_space<vmem>>, vector<16xf32>,
    }
    %scan3A_82 = arith.constant 128 : i32
    "tpu.region"() ({
      %run_scoped3A = tpu.sem_alloc : memref<!tpu.dma_semaphore, #tpu.memory_space<semaphore_mem>>
      %dma_start3A_256 = arith.constant 8192 : i32
      %dma_start3A_257 = tpu.memref_slice %arg2[%dma_start3A_256] : memref<16384xi32, #tpu.memory_space<hbm>> -> memref<8192xi32, #tpu.memory_space<hbm>>
      %dma_start3A_258 = arith.constant 8192 : i32
      %dma_start3A_259 = tpu.memref_slice %arg2[%dma_start3A_258] : memref<16384xi32, #tpu.memory_space<hbm>> -> memref<8192xi32, #tpu.memory_space<hbm>>
      tpu.enqueue_dma source(%dma_start3A_259 : memref<8192xi32, #tpu.memory_space<hbm>>) target(%arg7 : memref<8192xi32, #tpu.memory_space<vmem>>) target_semaphore(%run_scoped3A : memref<!tpu.dma_semaphore, #tpu.memory_space<semaphore_mem>>)
      %dma_wait3A_260 = arith.constant 8192 : i32
      %dma_wait3A_261 = tpu.memref_slice %arg2[%dma_wait3A_260] : memref<16384xi32, #tpu.memory_space<hbm>> -> memref<8192xi32, #tpu.memory_space<hbm>>
      %dma_wait3A_262 = arith.constant 8192 : i32
      %dma_wait3A_263 = tpu.memref_slice %arg2[%dma_wait3A_262] : memref<16384xi32, #tpu.memory_space<hbm>> -> memref<8192xi32, #tpu.memory_space<hbm>>
      tpu.wait_dma2 semaphore(%run_scoped3A : memref<!tpu.dma_semaphore, #tpu.memory_space<semaphore_mem>>) src(%dma_wait3A_263 : memref<8192xi32, #tpu.memory_space<hbm>>) dst(%arg7 : memref<8192xi32, #tpu.memory_space<vmem>>)
      tpu.yield
    }) : () -> ()
    %scan3A_83 = arith.constant 0 : i32
    %scan3A_84 = arith.constant 128 : i32
    %scan3A_85 = arith.addi %scan3A_83, %scan3A_84 : i32
    %scan3A_86 = arith.constant 1 : i32
    scf.for %scan3A_256 = %scan3A_83 to %scan3A_85 step %scan3A_86  : i32 {
      %mul3A_257 = arith.constant 1 : i32
      %mul3A_258 = arith.muli %scan3A_256, %mul3A_257 : i32
      %add3A_259 = arith.constant 0 : i32
      %add3A_260 = arith.addi %add3A_259, %mul3A_258 : i32
      %mul3A_261 = arith.constant 4 : i32
      %mul3A_262 = arith.muli %add3A_260, %mul3A_261 : i32
      %add3A_263 = arith.constant 0 : i32
      %add3A_264 = arith.addi %mul3A_262, %add3A_263 : i32
      %mul3A_265 = arith.constant 16 : i32
      %mul3A_266 = arith.muli %add3A_264, %mul3A_265 : i32
      %get3A_267 = arith.index_cast %mul3A_266 : i32 to index
      %get3A_268 = tpu.vector_load %arg7[%get3A_267] {strides = array<i32>} : memref<8192xi32, #tpu.memory_space<vmem>>, vector<16xi32>,
      %mul3A_269 = arith.constant 4 : i32
      %mul3A_270 = arith.muli %add3A_260, %mul3A_269 : i32
      %add3A_271 = arith.constant 0 : i32
      %add3A_272 = arith.addi %mul3A_270, %add3A_271 : i32
      %mul3A_273 = arith.constant 16 : i32
      %mul3A_274 = arith.muli %add3A_272, %mul3A_273 : i32
      %add3A_275 = arith.constant 8192 : i32
      %add3A_276 = arith.addi %add3A_275, %mul3A_274 : i32
      %lt3A = arith.constant 102400 : i32
      %lt3A_277 = vector.broadcast %lt3A : i32 to vector<16xi32>
      %lt3A_278 = arith.cmpi slt, %get3A_268, %lt3A_277 : vector<16xi32>
      %gather3A = tpu.vector_load_idx %arg5[%get3A_268] masked %lt3A_278 : memref<102784xf32, #tpu.memory_space<vmem>>[vector<16xi32>], vector<16xf32>, vector<16xi1>
      %broadcast_in_dim3A = arith.constant 0.000000e+00 : f32
      %broadcast_in_dim3A_279 = vector.broadcast %broadcast_in_dim3A : f32 to vector<16xf32>
      %select_n3A = arith.select %lt3A_278, %gather3A, %broadcast_in_dim3A_279 : vector<16xi1>, vector<16xf32>
      %swap3A_280 = arith.index_cast %add3A_276 : i32 to index
      %swap3A_281 = tpu.vector_load %arg8[%swap3A_280] {strides = array<i32>} : memref<16384xf32, #tpu.memory_space<vmem>>, vector<16xf32>,
      tpu.vector_store %arg8[%swap3A_280], %select_n3A {strides = array<i32>} : memref<16384xf32, #tpu.memory_space<vmem>>, vector<16xf32>,
      %mul3A_282 = arith.constant 4 : i32
      %mul3A_283 = arith.muli %add3A_260, %mul3A_282 : i32
      %add3A_284 = arith.constant 1 : i32
      %add3A_285 = arith.addi %mul3A_283, %add3A_284 : i32
      %mul3A_286 = arith.constant 16 : i32
      %mul3A_287 = arith.muli %add3A_285, %mul3A_286 : i32
      %get3A_288 = arith.index_cast %mul3A_287 : i32 to index
      %get3A_289 = tpu.vector_load %arg7[%get3A_288] {strides = array<i32>} : memref<8192xi32, #tpu.memory_space<vmem>>, vector<16xi32>,
      %mul3A_290 = arith.constant 4 : i32
      %mul3A_291 = arith.muli %add3A_260, %mul3A_290 : i32
      %add3A_292 = arith.constant 1 : i32
      %add3A_293 = arith.addi %mul3A_291, %add3A_292 : i32
      %mul3A_294 = arith.constant 16 : i32
      %mul3A_295 = arith.muli %add3A_293, %mul3A_294 : i32
      %add3A_296 = arith.constant 8192 : i32
      %add3A_297 = arith.addi %add3A_296, %mul3A_295 : i32
      %lt3A_298 = arith.constant 102400 : i32
      %lt3A_299 = vector.broadcast %lt3A_298 : i32 to vector<16xi32>
      %lt3A_300 = arith.cmpi slt, %get3A_289, %lt3A_299 : vector<16xi32>
      %gather3A_301 = tpu.vector_load_idx %arg5[%get3A_289] masked %lt3A_300 : memref<102784xf32, #tpu.memory_space<vmem>>[vector<16xi32>], vector<16xf32>, vector<16xi1>
      %broadcast_in_dim3A_302 = arith.constant 0.000000e+00 : f32
      %broadcast_in_dim3A_303 = vector.broadcast %broadcast_in_dim3A_302 : f32 to vector<16xf32>
      %select_n3A_304 = arith.select %lt3A_300, %gather3A_301, %broadcast_in_dim3A_303 : vector<16xi1>, vector<16xf32>
      %swap3A_305 = arith.index_cast %add3A_297 : i32 to index
      %swap3A_306 = tpu.vector_load %arg8[%swap3A_305] {strides = array<i32>} : memref<16384xf32, #tpu.memory_space<vmem>>, vector<16xf32>,
      tpu.vector_store %arg8[%swap3A_305], %select_n3A_304 {strides = array<i32>} : memref<16384xf32, #tpu.memory_space<vmem>>, vector<16xf32>,
      %mul3A_307 = arith.constant 4 : i32
      %mul3A_308 = arith.muli %add3A_260, %mul3A_307 : i32
      %add3A_309 = arith.constant 2 : i32
      %add3A_310 = arith.addi %mul3A_308, %add3A_309 : i32
      %mul3A_311 = arith.constant 16 : i32
      %mul3A_312 = arith.muli %add3A_310, %mul3A_311 : i32
      %get3A_313 = arith.index_cast %mul3A_312 : i32 to index
      %get3A_314 = tpu.vector_load %arg7[%get3A_313] {strides = array<i32>} : memref<8192xi32, #tpu.memory_space<vmem>>, vector<16xi32>,
      %mul3A_315 = arith.constant 4 : i32
      %mul3A_316 = arith.muli %add3A_260, %mul3A_315 : i32
      %add3A_317 = arith.constant 2 : i32
      %add3A_318 = arith.addi %mul3A_316, %add3A_317 : i32
      %mul3A_319 = arith.constant 16 : i32
      %mul3A_320 = arith.muli %add3A_318, %mul3A_319 : i32
      %add3A_321 = arith.constant 8192 : i32
      %add3A_322 = arith.addi %add3A_321, %mul3A_320 : i32
      %lt3A_323 = arith.constant 102400 : i32
      %lt3A_324 = vector.broadcast %lt3A_323 : i32 to vector<16xi32>
      %lt3A_325 = arith.cmpi slt, %get3A_314, %lt3A_324 : vector<16xi32>
      %gather3A_326 = tpu.vector_load_idx %arg5[%get3A_314] masked %lt3A_325 : memref<102784xf32, #tpu.memory_space<vmem>>[vector<16xi32>], vector<16xf32>, vector<16xi1>
      %broadcast_in_dim3A_327 = arith.constant 0.000000e+00 : f32
      %broadcast_in_dim3A_328 = vector.broadcast %broadcast_in_dim3A_327 : f32 to vector<16xf32>
      %select_n3A_329 = arith.select %lt3A_325, %gather3A_326, %broadcast_in_dim3A_328 : vector<16xi1>, vector<16xf32>
      %swap3A_330 = arith.index_cast %add3A_322 : i32 to index
      %swap3A_331 = tpu.vector_load %arg8[%swap3A_330] {strides = array<i32>} : memref<16384xf32, #tpu.memory_space<vmem>>, vector<16xf32>,
      tpu.vector_store %arg8[%swap3A_330], %select_n3A_329 {strides = array<i32>} : memref<16384xf32, #tpu.memory_space<vmem>>, vector<16xf32>,
      %mul3A_332 = arith.constant 4 : i32
      %mul3A_333 = arith.muli %add3A_260, %mul3A_332 : i32
      %add3A_334 = arith.constant 3 : i32
      %add3A_335 = arith.addi %mul3A_333, %add3A_334 : i32
      %mul3A_336 = arith.constant 16 : i32
      %mul3A_337 = arith.muli %add3A_335, %mul3A_336 : i32
      %get3A_338 = arith.index_cast %mul3A_337 : i32 to index
      %get3A_339 = tpu.vector_load %arg7[%get3A_338] {strides = array<i32>} : memref<8192xi32, #tpu.memory_space<vmem>>, vector<16xi32>,
      %mul3A_340 = arith.constant 4 : i32
      %mul3A_341 = arith.muli %add3A_260, %mul3A_340 : i32
      %add3A_342 = arith.constant 3 : i32
      %add3A_343 = arith.addi %mul3A_341, %add3A_342 : i32
      %mul3A_344 = arith.constant 16 : i32
      %mul3A_345 = arith.muli %add3A_343, %mul3A_344 : i32
      %add3A_346 = arith.constant 8192 : i32
      %add3A_347 = arith.addi %add3A_346, %mul3A_345 : i32
      %lt3A_348 = arith.constant 102400 : i32
      %lt3A_349 = vector.broadcast %lt3A_348 : i32 to vector<16xi32>
      %lt3A_350 = arith.cmpi slt, %get3A_339, %lt3A_349 : vector<16xi32>
      %gather3A_351 = tpu.vector_load_idx %arg5[%get3A_339] masked %lt3A_350 : memref<102784xf32, #tpu.memory_space<vmem>>[vector<16xi32>], vector<16xf32>, vector<16xi1>
      %broadcast_in_dim3A_352 = arith.constant 0.000000e+00 : f32
      %broadcast_in_dim3A_353 = vector.broadcast %broadcast_in_dim3A_352 : f32 to vector<16xf32>
      %select_n3A_354 = arith.select %lt3A_350, %gather3A_351, %broadcast_in_dim3A_353 : vector<16xi1>, vector<16xf32>
      %swap3A_355 = arith.index_cast %add3A_347 : i32 to index
      %swap3A_356 = tpu.vector_load %arg8[%swap3A_355] {strides = array<i32>} : memref<16384xf32, #tpu.memory_space<vmem>>, vector<16xf32>,
      tpu.vector_store %arg8[%swap3A_355], %select_n3A_354 {strides = array<i32>} : memref<16384xf32, #tpu.memory_space<vmem>>, vector<16xf32>,
    }
    %scan3A_87 = arith.constant 128 : i32
    %dma_start3A_88 = arith.constant 0 : i32
    %dma_start3A_89 = tpu.memref_slice %arg5[%dma_start3A_88] : memref<102784xf32, #tpu.memory_space<vmem>> -> memref<25600xf32, #tpu.memory_space<vmem>>
    %dma_start3A_90 = arith.constant 97280 : i32
    %dma_start3A_91 = tpu.memref_slice %arg3[%add3A, %dma_start3A_90] : memref<32x200000xf32, #tpu.memory_space<hbm>> -> memref<1x25600xf32, #tpu.memory_space<hbm>>
    %dma_start3A_92 = tpu.memref_squeeze %dma_start3A_91 : memref<1x25600xf32, #tpu.memory_space<hbm>> -> memref<25600xf32, #tpu.memory_space<hbm>>
    %dma_start3A_93 = arith.constant 0 : i32
    %dma_start3A_94 = tpu.memref_slice %arg5[%dma_start3A_93] : memref<102784xf32, #tpu.memory_space<vmem>> -> memref<25600xf32, #tpu.memory_space<vmem>>
    %dma_start3A_95 = arith.constant 97280 : i32
    %dma_start3A_96 = tpu.memref_slice %arg3[%add3A, %dma_start3A_95] : memref<32x200000xf32, #tpu.memory_space<hbm>> -> memref<1x25600xf32, #tpu.memory_space<hbm>>
    %dma_start3A_97 = tpu.memref_squeeze %dma_start3A_96 : memref<1x25600xf32, #tpu.memory_space<hbm>> -> memref<25600xf32, #tpu.memory_space<hbm>>
    tpu.enqueue_dma source(%dma_start3A_97 : memref<25600xf32, #tpu.memory_space<hbm>>) target(%dma_start3A_94 : memref<25600xf32, #tpu.memory_space<vmem>>) target_semaphore(%arg9 : memref<!tpu.dma_semaphore, #tpu.memory_space<semaphore_mem>>)
    %dma_start3A_98 = arith.constant 25600 : i32
    %dma_start3A_99 = tpu.memref_slice %arg5[%dma_start3A_98] : memref<102784xf32, #tpu.memory_space<vmem>> -> memref<25600xf32, #tpu.memory_space<vmem>>
    %dma_start3A_100 = arith.constant 122880 : i32
    %dma_start3A_101 = tpu.memref_slice %arg3[%add3A, %dma_start3A_100] : memref<32x200000xf32, #tpu.memory_space<hbm>> -> memref<1x25600xf32, #tpu.memory_space<hbm>>
    %dma_start3A_102 = tpu.memref_squeeze %dma_start3A_101 : memref<1x25600xf32, #tpu.memory_space<hbm>> -> memref<25600xf32, #tpu.memory_space<hbm>>
    %dma_start3A_103 = arith.constant 25600 : i32
    %dma_start3A_104 = tpu.memref_slice %arg5[%dma_start3A_103] : memref<102784xf32, #tpu.memory_space<vmem>> -> memref<25600xf32, #tpu.memory_space<vmem>>
    %dma_start3A_105 = arith.constant 122880 : i32
    %dma_start3A_106 = tpu.memref_slice %arg3[%add3A, %dma_start3A_105] : memref<32x200000xf32, #tpu.memory_space<hbm>> -> memref<1x25600xf32, #tpu.memory_space<hbm>>
    %dma_start3A_107 = tpu.memref_squeeze %dma_start3A_106 : memref<1x25600xf32, #tpu.memory_space<hbm>> -> memref<25600xf32, #tpu.memory_space<hbm>>
    tpu.enqueue_dma source(%dma_start3A_107 : memref<25600xf32, #tpu.memory_space<hbm>>) target(%dma_start3A_104 : memref<25600xf32, #tpu.memory_space<vmem>>) target_semaphore(%arg9 : memref<!tpu.dma_semaphore, #tpu.memory_space<semaphore_mem>>)
    %dma_start3A_108 = arith.constant 51200 : i32
    %dma_start3A_109 = tpu.memref_slice %arg5[%dma_start3A_108] : memref<102784xf32, #tpu.memory_space<vmem>> -> memref<25600xf32, #tpu.memory_space<vmem>>
    %dma_start3A_110 = arith.constant 148480 : i32
    %dma_start3A_111 = tpu.memref_slice %arg3[%add3A, %dma_start3A_110] : memref<32x200000xf32, #tpu.memory_space<hbm>> -> memref<1x25600xf32, #tpu.memory_space<hbm>>
    %dma_start3A_112 = tpu.memref_squeeze %dma_start3A_111 : memref<1x25600xf32, #tpu.memory_space<hbm>> -> memref<25600xf32, #tpu.memory_space<hbm>>
    %dma_start3A_113 = arith.constant 51200 : i32
    %dma_start3A_114 = tpu.memref_slice %arg5[%dma_start3A_113] : memref<102784xf32, #tpu.memory_space<vmem>> -> memref<25600xf32, #tpu.memory_space<vmem>>
    %dma_start3A_115 = arith.constant 148480 : i32
    %dma_start3A_116 = tpu.memref_slice %arg3[%add3A, %dma_start3A_115] : memref<32x200000xf32, #tpu.memory_space<hbm>> -> memref<1x25600xf32, #tpu.memory_space<hbm>>
    %dma_start3A_117 = tpu.memref_squeeze %dma_start3A_116 : memref<1x25600xf32, #tpu.memory_space<hbm>> -> memref<25600xf32, #tpu.memory_space<hbm>>
    tpu.enqueue_dma source(%dma_start3A_117 : memref<25600xf32, #tpu.memory_space<hbm>>) target(%dma_start3A_114 : memref<25600xf32, #tpu.memory_space<vmem>>) target_semaphore(%arg9 : memref<!tpu.dma_semaphore, #tpu.memory_space<semaphore_mem>>)
    %dma_start3A_118 = arith.constant 76800 : i32
    %dma_start3A_119 = tpu.memref_slice %arg5[%dma_start3A_118] : memref<102784xf32, #tpu.memory_space<vmem>> -> memref<25600xf32, #tpu.memory_space<vmem>>
    %dma_start3A_120 = arith.constant 174080 : i32
    %dma_start3A_121 = tpu.memref_slice %arg3[%add3A, %dma_start3A_120] : memref<32x200000xf32, #tpu.memory_space<hbm>> -> memref<1x25600xf32, #tpu.memory_space<hbm>>
    %dma_start3A_122 = tpu.memref_squeeze %dma_start3A_121 : memref<1x25600xf32, #tpu.memory_space<hbm>> -> memref<25600xf32, #tpu.memory_space<hbm>>
    %dma_start3A_123 = arith.constant 76800 : i32
    %dma_start3A_124 = tpu.memref_slice %arg5[%dma_start3A_123] : memref<102784xf32, #tpu.memory_space<vmem>> -> memref<25600xf32, #tpu.memory_space<vmem>>
    %dma_start3A_125 = arith.constant 174080 : i32
    %dma_start3A_126 = tpu.memref_slice %arg3[%add3A, %dma_start3A_125] : memref<32x200000xf32, #tpu.memory_space<hbm>> -> memref<1x25600xf32, #tpu.memory_space<hbm>>
    %dma_start3A_127 = tpu.memref_squeeze %dma_start3A_126 : memref<1x25600xf32, #tpu.memory_space<hbm>> -> memref<25600xf32, #tpu.memory_space<hbm>>
    tpu.enqueue_dma source(%dma_start3A_127 : memref<25600xf32, #tpu.memory_space<hbm>>) target(%dma_start3A_124 : memref<25600xf32, #tpu.memory_space<vmem>>) target_semaphore(%arg9 : memref<!tpu.dma_semaphore, #tpu.memory_space<semaphore_mem>>)
    %dma_wait3A_128 = arith.constant 0 : i32
    %dma_wait3A_129 = tpu.memref_slice %arg5[%dma_wait3A_128] : memref<102784xf32, #tpu.memory_space<vmem>> -> memref<25600xf32, #tpu.memory_space<vmem>>
    %dma_wait3A_130 = arith.constant 97280 : i32
    %dma_wait3A_131 = tpu.memref_slice %arg3[%add3A, %dma_wait3A_130] : memref<32x200000xf32, #tpu.memory_space<hbm>> -> memref<1x25600xf32, #tpu.memory_space<hbm>>
    %dma_wait3A_132 = tpu.memref_squeeze %dma_wait3A_131 : memref<1x25600xf32, #tpu.memory_space<hbm>> -> memref<25600xf32, #tpu.memory_space<hbm>>
    %dma_wait3A_133 = arith.constant 0 : i32
    %dma_wait3A_134 = tpu.memref_slice %arg5[%dma_wait3A_133] : memref<102784xf32, #tpu.memory_space<vmem>> -> memref<25600xf32, #tpu.memory_space<vmem>>
    %dma_wait3A_135 = arith.constant 97280 : i32
    %dma_wait3A_136 = tpu.memref_slice %arg3[%add3A, %dma_wait3A_135] : memref<32x200000xf32, #tpu.memory_space<hbm>> -> memref<1x25600xf32, #tpu.memory_space<hbm>>
    %dma_wait3A_137 = tpu.memref_squeeze %dma_wait3A_136 : memref<1x25600xf32, #tpu.memory_space<hbm>> -> memref<25600xf32, #tpu.memory_space<hbm>>
    tpu.wait_dma2 semaphore(%arg9 : memref<!tpu.dma_semaphore, #tpu.memory_space<semaphore_mem>>) src(%dma_wait3A_137 : memref<25600xf32, #tpu.memory_space<hbm>>) dst(%dma_wait3A_134 : memref<25600xf32, #tpu.memory_space<vmem>>)
    %dma_wait3A_138 = arith.constant 25600 : i32
    %dma_wait3A_139 = tpu.memref_slice %arg5[%dma_wait3A_138] : memref<102784xf32, #tpu.memory_space<vmem>> -> memref<25600xf32, #tpu.memory_space<vmem>>
    %dma_wait3A_140 = arith.constant 122880 : i32
    %dma_wait3A_141 = tpu.memref_slice %arg3[%add3A, %dma_wait3A_140] : memref<32x200000xf32, #tpu.memory_space<hbm>> -> memref<1x25600xf32, #tpu.memory_space<hbm>>
    %dma_wait3A_142 = tpu.memref_squeeze %dma_wait3A_141 : memref<1x25600xf32, #tpu.memory_space<hbm>> -> memref<25600xf32, #tpu.memory_space<hbm>>
    %dma_wait3A_143 = arith.constant 25600 : i32
    %dma_wait3A_144 = tpu.memref_slice %arg5[%dma_wait3A_143] : memref<102784xf32, #tpu.memory_space<vmem>> -> memref<25600xf32, #tpu.memory_space<vmem>>
    %dma_wait3A_145 = arith.constant 122880 : i32
    %dma_wait3A_146 = tpu.memref_slice %arg3[%add3A, %dma_wait3A_145] : memref<32x200000xf32, #tpu.memory_space<hbm>> -> memref<1x25600xf32, #tpu.memory_space<hbm>>
    %dma_wait3A_147 = tpu.memref_squeeze %dma_wait3A_146 : memref<1x25600xf32, #tpu.memory_space<hbm>> -> memref<25600xf32, #tpu.memory_space<hbm>>
    tpu.wait_dma2 semaphore(%arg9 : memref<!tpu.dma_semaphore, #tpu.memory_space<semaphore_mem>>) src(%dma_wait3A_147 : memref<25600xf32, #tpu.memory_space<hbm>>) dst(%dma_wait3A_144 : memref<25600xf32, #tpu.memory_space<vmem>>)
    %dma_wait3A_148 = arith.constant 51200 : i32
    %dma_wait3A_149 = tpu.memref_slice %arg5[%dma_wait3A_148] : memref<102784xf32, #tpu.memory_space<vmem>> -> memref<25600xf32, #tpu.memory_space<vmem>>
    %dma_wait3A_150 = arith.constant 148480 : i32
    %dma_wait3A_151 = tpu.memref_slice %arg3[%add3A, %dma_wait3A_150] : memref<32x200000xf32, #tpu.memory_space<hbm>> -> memref<1x25600xf32, #tpu.memory_space<hbm>>
    %dma_wait3A_152 = tpu.memref_squeeze %dma_wait3A_151 : memref<1x25600xf32, #tpu.memory_space<hbm>> -> memref<25600xf32, #tpu.memory_space<hbm>>
    %dma_wait3A_153 = arith.constant 51200 : i32
    %dma_wait3A_154 = tpu.memref_slice %arg5[%dma_wait3A_153] : memref<102784xf32, #tpu.memory_space<vmem>> -> memref<25600xf32, #tpu.memory_space<vmem>>
    %dma_wait3A_155 = arith.constant 148480 : i32
    %dma_wait3A_156 = tpu.memref_slice %arg3[%add3A, %dma_wait3A_155] : memref<32x200000xf32, #tpu.memory_space<hbm>> -> memref<1x25600xf32, #tpu.memory_space<hbm>>
    %dma_wait3A_157 = tpu.memref_squeeze %dma_wait3A_156 : memref<1x25600xf32, #tpu.memory_space<hbm>> -> memref<25600xf32, #tpu.memory_space<hbm>>
    tpu.wait_dma2 semaphore(%arg9 : memref<!tpu.dma_semaphore, #tpu.memory_space<semaphore_mem>>) src(%dma_wait3A_157 : memref<25600xf32, #tpu.memory_space<hbm>>) dst(%dma_wait3A_154 : memref<25600xf32, #tpu.memory_space<vmem>>)
    %dma_wait3A_158 = arith.constant 76800 : i32
    %dma_wait3A_159 = tpu.memref_slice %arg5[%dma_wait3A_158] : memref<102784xf32, #tpu.memory_space<vmem>> -> memref<25600xf32, #tpu.memory_space<vmem>>
    %dma_wait3A_160 = arith.constant 174080 : i32
    %dma_wait3A_161 = tpu.memref_slice %arg3[%add3A, %dma_wait3A_160] : memref<32x200000xf32, #tpu.memory_space<hbm>> -> memref<1x25600xf32, #tpu.memory_space<hbm>>
    %dma_wait3A_162 = tpu.memref_squeeze %dma_wait3A_161 : memref<1x25600xf32, #tpu.memory_space<hbm>> -> memref<25600xf32, #tpu.memory_space<hbm>>
    %dma_wait3A_163 = arith.constant 76800 : i32
    %dma_wait3A_164 = tpu.memref_slice %arg5[%dma_wait3A_163] : memref<102784xf32, #tpu.memory_space<vmem>> -> memref<25600xf32, #tpu.memory_space<vmem>>
    %dma_wait3A_165 = arith.constant 174080 : i32
    %dma_wait3A_166 = tpu.memref_slice %arg3[%add3A, %dma_wait3A_165] : memref<32x200000xf32, #tpu.memory_space<hbm>> -> memref<1x25600xf32, #tpu.memory_space<hbm>>
    %dma_wait3A_167 = tpu.memref_squeeze %dma_wait3A_166 : memref<1x25600xf32, #tpu.memory_space<hbm>> -> memref<25600xf32, #tpu.memory_space<hbm>>
    tpu.wait_dma2 semaphore(%arg9 : memref<!tpu.dma_semaphore, #tpu.memory_space<semaphore_mem>>) src(%dma_wait3A_167 : memref<25600xf32, #tpu.memory_space<hbm>>) dst(%dma_wait3A_164 : memref<25600xf32, #tpu.memory_space<vmem>>)
    %get3A = arith.constant 0 : index
    %get3A_168 = tpu.vector_load %arg6[%get3A] {strides = array<i32>} : memref<320xf32, #tpu.memory_space<vmem>>, vector<16xf32>,
    %swap3A = arith.constant 102400 : index
    %swap3A_169 = tpu.vector_load %arg5[%swap3A] {strides = array<i32>} : memref<102784xf32, #tpu.memory_space<vmem>>, vector<16xf32>,
    tpu.vector_store %arg5[%swap3A], %get3A_168 {strides = array<i32>} : memref<102784xf32, #tpu.memory_space<vmem>>, vector<16xf32>,
    %get3A_170 = arith.constant 16 : index
    %get3A_171 = tpu.vector_load %arg6[%get3A_170] {strides = array<i32>} : memref<320xf32, #tpu.memory_space<vmem>>, vector<16xf32>,
    %swap3A_172 = arith.constant 102416 : index
    %swap3A_173 = tpu.vector_load %arg5[%swap3A_172] {strides = array<i32>} : memref<102784xf32, #tpu.memory_space<vmem>>, vector<16xf32>,
    tpu.vector_store %arg5[%swap3A_172], %get3A_171 {strides = array<i32>} : memref<102784xf32, #tpu.memory_space<vmem>>, vector<16xf32>,
    %get3A_174 = arith.constant 32 : index
    %get3A_175 = tpu.vector_load %arg6[%get3A_174] {strides = array<i32>} : memref<320xf32, #tpu.memory_space<vmem>>, vector<16xf32>,
    %swap3A_176 = arith.constant 102432 : index
    %swap3A_177 = tpu.vector_load %arg5[%swap3A_176] {strides = array<i32>} : memref<102784xf32, #tpu.memory_space<vmem>>, vector<16xf32>,
    tpu.vector_store %arg5[%swap3A_176], %get3A_175 {strides = array<i32>} : memref<102784xf32, #tpu.memory_space<vmem>>, vector<16xf32>,
    %get3A_178 = arith.constant 48 : index
    %get3A_179 = tpu.vector_load %arg6[%get3A_178] {strides = array<i32>} : memref<320xf32, #tpu.memory_space<vmem>>, vector<16xf32>,
    %swap3A_180 = arith.constant 102448 : index
    %swap3A_181 = tpu.vector_load %arg5[%swap3A_180] {strides = array<i32>} : memref<102784xf32, #tpu.memory_space<vmem>>, vector<16xf32>,
    tpu.vector_store %arg5[%swap3A_180], %get3A_179 {strides = array<i32>} : memref<102784xf32, #tpu.memory_space<vmem>>, vector<16xf32>,
    %get3A_182 = arith.constant 64 : index
    %get3A_183 = tpu.vector_load %arg6[%get3A_182] {strides = array<i32>} : memref<320xf32, #tpu.memory_space<vmem>>, vector<16xf32>,
    %swap3A_184 = arith.constant 102464 : index
    %swap3A_185 = tpu.vector_load %arg5[%swap3A_184] {strides = array<i32>} : memref<102784xf32, #tpu.memory_space<vmem>>, vector<16xf32>,
    tpu.vector_store %arg5[%swap3A_184], %get3A_183 {strides = array<i32>} : memref<102784xf32, #tpu.memory_space<vmem>>, vector<16xf32>,
    %get3A_186 = arith.constant 80 : index
    %get3A_187 = tpu.vector_load %arg6[%get3A_186] {strides = array<i32>} : memref<320xf32, #tpu.memory_space<vmem>>, vector<16xf32>,
    %swap3A_188 = arith.constant 102480 : index
    %swap3A_189 = tpu.vector_load %arg5[%swap3A_188] {strides = array<i32>} : memref<102784xf32, #tpu.memory_space<vmem>>, vector<16xf32>,
    tpu.vector_store %arg5[%swap3A_188], %get3A_187 {strides = array<i32>} : memref<102784xf32, #tpu.memory_space<vmem>>, vector<16xf32>,
    %get3A_190 = arith.constant 96 : index
    %get3A_191 = tpu.vector_load %arg6[%get3A_190] {strides = array<i32>} : memref<320xf32, #tpu.memory_space<vmem>>, vector<16xf32>,
    %swap3A_192 = arith.constant 102496 : index
    %swap3A_193 = tpu.vector_load %arg5[%swap3A_192] {strides = array<i32>} : memref<102784xf32, #tpu.memory_space<vmem>>, vector<16xf32>,
    tpu.vector_store %arg5[%swap3A_192], %get3A_191 {strides = array<i32>} : memref<102784xf32, #tpu.memory_space<vmem>>, vector<16xf32>,
    %get3A_194 = arith.constant 112 : index
    %get3A_195 = tpu.vector_load %arg6[%get3A_194] {strides = array<i32>} : memref<320xf32, #tpu.memory_space<vmem>>, vector<16xf32>,
    %swap3A_196 = arith.constant 102512 : index
    %swap3A_197 = tpu.vector_load %arg5[%swap3A_196] {strides = array<i32>} : memref<102784xf32, #tpu.memory_space<vmem>>, vector<16xf32>,
    tpu.vector_store %arg5[%swap3A_196], %get3A_195 {strides = array<i32>} : memref<102784xf32, #tpu.memory_space<vmem>>, vector<16xf32>,
    %get3A_198 = arith.constant 128 : index
    %get3A_199 = tpu.vector_load %arg6[%get3A_198] {strides = array<i32>} : memref<320xf32, #tpu.memory_space<vmem>>, vector<16xf32>,
    %swap3A_200 = arith.constant 102528 : index
    %swap3A_201 = tpu.vector_load %arg5[%swap3A_200] {strides = array<i32>} : memref<102784xf32, #tpu.memory_space<vmem>>, vector<16xf32>,
    tpu.vector_store %arg5[%swap3A_200], %get3A_199 {strides = array<i32>} : memref<102784xf32, #tpu.memory_space<vmem>>, vector<16xf32>,
    %get3A_202 = arith.constant 144 : index
    %get3A_203 = tpu.vector_load %arg6[%get3A_202] {strides = array<i32>} : memref<320xf32, #tpu.memory_space<vmem>>, vector<16xf32>,
    %swap3A_204 = arith.constant 102544 : index
    %swap3A_205 = tpu.vector_load %arg5[%swap3A_204] {strides = array<i32>} : memref<102784xf32, #tpu.memory_space<vmem>>, vector<16xf32>,
    tpu.vector_store %arg5[%swap3A_204], %get3A_203 {strides = array<i32>} : memref<102784xf32, #tpu.memory_space<vmem>>, vector<16xf32>,
    %get3A_206 = arith.constant 160 : index
    %get3A_207 = tpu.vector_load %arg6[%get3A_206] {strides = array<i32>} : memref<320xf32, #tpu.memory_space<vmem>>, vector<16xf32>,
    %swap3A_208 = arith.constant 102560 : index
    %swap3A_209 = tpu.vector_load %arg5[%swap3A_208] {strides = array<i32>} : memref<102784xf32, #tpu.memory_space<vmem>>, vector<16xf32>,
    tpu.vector_store %arg5[%swap3A_208], %get3A_207 {strides = array<i32>} : memref<102784xf32, #tpu.memory_space<vmem>>, vector<16xf32>,
    %get3A_210 = arith.constant 176 : index
    %get3A_211 = tpu.vector_load %arg6[%get3A_210] {strides = array<i32>} : memref<320xf32, #tpu.memory_space<vmem>>, vector<16xf32>,
    %swap3A_212 = arith.constant 102576 : index
    %swap3A_213 = tpu.vector_load %arg5[%swap3A_212] {strides = array<i32>} : memref<102784xf32, #tpu.memory_space<vmem>>, vector<16xf32>,
    tpu.vector_store %arg5[%swap3A_212], %get3A_211 {strides = array<i32>} : memref<102784xf32, #tpu.memory_space<vmem>>, vector<16xf32>,
    %get3A_214 = arith.constant 192 : index
    %get3A_215 = tpu.vector_load %arg6[%get3A_214] {strides = array<i32>} : memref<320xf32, #tpu.memory_space<vmem>>, vector<16xf32>,
    %swap3A_216 = arith.constant 102592 : index
    %swap3A_217 = tpu.vector_load %arg5[%swap3A_216] {strides = array<i32>} : memref<102784xf32, #tpu.memory_space<vmem>>, vector<16xf32>,
    tpu.vector_store %arg5[%swap3A_216], %get3A_215 {strides = array<i32>} : memref<102784xf32, #tpu.memory_space<vmem>>, vector<16xf32>,
    %get3A_218 = arith.constant 208 : index
    %get3A_219 = tpu.vector_load %arg6[%get3A_218] {strides = array<i32>} : memref<320xf32, #tpu.memory_space<vmem>>, vector<16xf32>,
    %swap3A_220 = arith.constant 102608 : index
    %swap3A_221 = tpu.vector_load %arg5[%swap3A_220] {strides = array<i32>} : memref<102784xf32, #tpu.memory_space<vmem>>, vector<16xf32>,
    tpu.vector_store %arg5[%swap3A_220], %get3A_219 {strides = array<i32>} : memref<102784xf32, #tpu.memory_space<vmem>>, vector<16xf32>,
    %get3A_222 = arith.constant 224 : index
    %get3A_223 = tpu.vector_load %arg6[%get3A_222] {strides = array<i32>} : memref<320xf32, #tpu.memory_space<vmem>>, vector<16xf32>,
    %swap3A_224 = arith.constant 102624 : index
    %swap3A_225 = tpu.vector_load %arg5[%swap3A_224] {strides = array<i32>} : memref<102784xf32, #tpu.memory_space<vmem>>, vector<16xf32>,
    tpu.vector_store %arg5[%swap3A_224], %get3A_223 {strides = array<i32>} : memref<102784xf32, #tpu.memory_space<vmem>>, vector<16xf32>,
    %get3A_226 = arith.constant 240 : index
    %get3A_227 = tpu.vector_load %arg6[%get3A_226] {strides = array<i32>} : memref<320xf32, #tpu.memory_space<vmem>>, vector<16xf32>,
    %swap3A_228 = arith.constant 102640 : index
    %swap3A_229 = tpu.vector_load %arg5[%swap3A_228] {strides = array<i32>} : memref<102784xf32, #tpu.memory_space<vmem>>, vector<16xf32>,
    tpu.vector_store %arg5[%swap3A_228], %get3A_227 {strides = array<i32>} : memref<102784xf32, #tpu.memory_space<vmem>>, vector<16xf32>,
    %get3A_230 = arith.constant 256 : index
    %get3A_231 = tpu.vector_load %arg6[%get3A_230] {strides = array<i32>} : memref<320xf32, #tpu.memory_space<vmem>>, vector<16xf32>,
    %swap3A_232 = arith.constant 102656 : index
    %swap3A_233 = tpu.vector_load %arg5[%swap3A_232] {strides = array<i32>} : memref<102784xf32, #tpu.memory_space<vmem>>, vector<16xf32>,
    tpu.vector_store %arg5[%swap3A_232], %get3A_231 {strides = array<i32>} : memref<102784xf32, #tpu.memory_space<vmem>>, vector<16xf32>,
    %get3A_234 = arith.constant 272 : index
    %get3A_235 = tpu.vector_load %arg6[%get3A_234] {strides = array<i32>} : memref<320xf32, #tpu.memory_space<vmem>>, vector<16xf32>,
    %swap3A_236 = arith.constant 102672 : index
    %swap3A_237 = tpu.vector_load %arg5[%swap3A_236] {strides = array<i32>} : memref<102784xf32, #tpu.memory_space<vmem>>, vector<16xf32>,
    tpu.vector_store %arg5[%swap3A_236], %get3A_235 {strides = array<i32>} : memref<102784xf32, #tpu.memory_space<vmem>>, vector<16xf32>,
    %get3A_238 = arith.constant 288 : index
    %get3A_239 = tpu.vector_load %arg6[%get3A_238] {strides = array<i32>} : memref<320xf32, #tpu.memory_space<vmem>>, vector<16xf32>,
    %swap3A_240 = arith.constant 102688 : index
    %swap3A_241 = tpu.vector_load %arg5[%swap3A_240] {strides = array<i32>} : memref<102784xf32, #tpu.memory_space<vmem>>, vector<16xf32>,
    tpu.vector_store %arg5[%swap3A_240], %get3A_239 {strides = array<i32>} : memref<102784xf32, #tpu.memory_space<vmem>>, vector<16xf32>,
    %get3A_242 = arith.constant 304 : index
    %get3A_243 = tpu.vector_load %arg6[%get3A_242] {strides = array<i32>} : memref<320xf32, #tpu.memory_space<vmem>>, vector<16xf32>,
    %swap3A_244 = arith.constant 102704 : index
    %swap3A_245 = tpu.vector_load %arg5[%swap3A_244] {strides = array<i32>} : memref<102784xf32, #tpu.memory_space<vmem>>, vector<16xf32>,
    tpu.vector_store %arg5[%swap3A_244], %get3A_243 {strides = array<i32>} : memref<102784xf32, #tpu.memory_space<vmem>>, vector<16xf32>,
    "tpu.region"() ({
      %run_scoped3A = tpu.sem_alloc : memref<!tpu.dma_semaphore, #tpu.memory_space<semaphore_mem>>
      %dma_start3A_256 = arith.constant 0 : i32
      %dma_start3A_257 = tpu.memref_slice %arg2[%dma_start3A_256] : memref<16384xi32, #tpu.memory_space<hbm>> -> memref<8192xi32, #tpu.memory_space<hbm>>
      %dma_start3A_258 = arith.constant 0 : i32
      %dma_start3A_259 = tpu.memref_slice %arg2[%dma_start3A_258] : memref<16384xi32, #tpu.memory_space<hbm>> -> memref<8192xi32, #tpu.memory_space<hbm>>
      tpu.enqueue_dma source(%dma_start3A_259 : memref<8192xi32, #tpu.memory_space<hbm>>) target(%arg7 : memref<8192xi32, #tpu.memory_space<vmem>>) target_semaphore(%run_scoped3A : memref<!tpu.dma_semaphore, #tpu.memory_space<semaphore_mem>>)
      %dma_wait3A_260 = arith.constant 0 : i32
      %dma_wait3A_261 = tpu.memref_slice %arg2[%dma_wait3A_260] : memref<16384xi32, #tpu.memory_space<hbm>> -> memref<8192xi32, #tpu.memory_space<hbm>>
      %dma_wait3A_262 = arith.constant 0 : i32
      %dma_wait3A_263 = tpu.memref_slice %arg2[%dma_wait3A_262] : memref<16384xi32, #tpu.memory_space<hbm>> -> memref<8192xi32, #tpu.memory_space<hbm>>
      tpu.wait_dma2 semaphore(%run_scoped3A : memref<!tpu.dma_semaphore, #tpu.memory_space<semaphore_mem>>) src(%dma_wait3A_263 : memref<8192xi32, #tpu.memory_space<hbm>>) dst(%arg7 : memref<8192xi32, #tpu.memory_space<vmem>>)
      tpu.yield
    }) : () -> ()
    %scan3A_246 = arith.constant 0 : i32
    %scan3A_247 = arith.constant 128 : i32
    %scan3A_248 = arith.addi %scan3A_246, %scan3A_247 : i32
    %scan3A_249 = arith.constant 1 : i32
    scf.for %scan3A_256 = %scan3A_246 to %scan3A_248 step %scan3A_249  : i32 {
      %mul3A_257 = arith.constant 1 : i32
      %mul3A_258 = arith.muli %scan3A_256, %mul3A_257 : i32
      %add3A_259 = arith.constant 0 : i32
      %add3A_260 = arith.addi %add3A_259, %mul3A_258 : i32
      %mul3A_261 = arith.constant 4 : i32
      %mul3A_262 = arith.muli %add3A_260, %mul3A_261 : i32
      %add3A_263 = arith.constant 0 : i32
      %add3A_264 = arith.addi %mul3A_262, %add3A_263 : i32
      %mul3A_265 = arith.constant 16 : i32
      %mul3A_266 = arith.muli %add3A_264, %mul3A_265 : i32
      %get3A_267 = arith.index_cast %mul3A_266 : i32 to index
      %get3A_268 = tpu.vector_load %arg7[%get3A_267] {strides = array<i32>} : memref<8192xi32, #tpu.memory_space<vmem>>, vector<16xi32>,
      %mul3A_269 = arith.constant 4 : i32
      %mul3A_270 = arith.muli %add3A_260, %mul3A_269 : i32
      %add3A_271 = arith.constant 0 : i32
      %add3A_272 = arith.addi %mul3A_270, %add3A_271 : i32
      %mul3A_273 = arith.constant 16 : i32
      %mul3A_274 = arith.muli %add3A_272, %mul3A_273 : i32
      %add3A_275 = arith.constant 0 : i32
      %add3A_276 = arith.addi %add3A_275, %mul3A_274 : i32
      %ge3A = arith.constant 102400 : i32
      %ge3A_277 = vector.broadcast %ge3A : i32 to vector<16xi32>
      %ge3A_278 = arith.cmpi sge, %get3A_268, %ge3A_277 : vector<16xi32>
      %sub3A = arith.constant 97280 : i32
      %sub3A_279 = vector.broadcast %sub3A : i32 to vector<16xi32>
      %sub3A_280 = arith.subi %get3A_268, %sub3A_279 : vector<16xi32>
      %gather3A = tpu.vector_load_idx %arg5[%sub3A_280] masked %ge3A_278 : memref<102784xf32, #tpu.memory_space<vmem>>[vector<16xi32>], vector<16xf32>, vector<16xi1>
      %get3A_281 = arith.index_cast %add3A_276 : i32 to index
      %get3A_282 = tpu.vector_load %arg8[%get3A_281] {strides = array<i32>} : memref<16384xf32, #tpu.memory_space<vmem>>, vector<16xf32>,
      %select_n3A = arith.select %ge3A_278, %gather3A, %get3A_282 : vector<16xi1>, vector<16xf32>
      %swap3A_283 = arith.index_cast %add3A_276 : i32 to index
      %swap3A_284 = tpu.vector_load %arg8[%swap3A_283] {strides = array<i32>} : memref<16384xf32, #tpu.memory_space<vmem>>, vector<16xf32>,
      tpu.vector_store %arg8[%swap3A_283], %select_n3A {strides = array<i32>} : memref<16384xf32, #tpu.memory_space<vmem>>, vector<16xf32>,
      %mul3A_285 = arith.constant 4 : i32
      %mul3A_286 = arith.muli %add3A_260, %mul3A_285 : i32
      %add3A_287 = arith.constant 1 : i32
      %add3A_288 = arith.addi %mul3A_286, %add3A_287 : i32
      %mul3A_289 = arith.constant 16 : i32
      %mul3A_290 = arith.muli %add3A_288, %mul3A_289 : i32
      %get3A_291 = arith.index_cast %mul3A_290 : i32 to index
      %get3A_292 = tpu.vector_load %arg7[%get3A_291] {strides = array<i32>} : memref<8192xi32, #tpu.memory_space<vmem>>, vector<16xi32>,
      %mul3A_293 = arith.constant 4 : i32
      %mul3A_294 = arith.muli %add3A_260, %mul3A_293 : i32
      %add3A_295 = arith.constant 1 : i32
      %add3A_296 = arith.addi %mul3A_294, %add3A_295 : i32
      %mul3A_297 = arith.constant 16 : i32
      %mul3A_298 = arith.muli %add3A_296, %mul3A_297 : i32
      %add3A_299 = arith.constant 0 : i32
      %add3A_300 = arith.addi %add3A_299, %mul3A_298 : i32
      %ge3A_301 = arith.constant 102400 : i32
      %ge3A_302 = vector.broadcast %ge3A_301 : i32 to vector<16xi32>
      %ge3A_303 = arith.cmpi sge, %get3A_292, %ge3A_302 : vector<16xi32>
      %sub3A_304 = arith.constant 97280 : i32
      %sub3A_305 = vector.broadcast %sub3A_304 : i32 to vector<16xi32>
      %sub3A_306 = arith.subi %get3A_292, %sub3A_305 : vector<16xi32>
      %gather3A_307 = tpu.vector_load_idx %arg5[%sub3A_306] masked %ge3A_303 : memref<102784xf32, #tpu.memory_space<vmem>>[vector<16xi32>], vector<16xf32>, vector<16xi1>
      %get3A_308 = arith.index_cast %add3A_300 : i32 to index
      %get3A_309 = tpu.vector_load %arg8[%get3A_308] {strides = array<i32>} : memref<16384xf32, #tpu.memory_space<vmem>>, vector<16xf32>,
      %select_n3A_310 = arith.select %ge3A_303, %gather3A_307, %get3A_309 : vector<16xi1>, vector<16xf32>
      %swap3A_311 = arith.index_cast %add3A_300 : i32 to index
      %swap3A_312 = tpu.vector_load %arg8[%swap3A_311] {strides = array<i32>} : memref<16384xf32, #tpu.memory_space<vmem>>, vector<16xf32>,
      tpu.vector_store %arg8[%swap3A_311], %select_n3A_310 {strides = array<i32>} : memref<16384xf32, #tpu.memory_space<vmem>>, vector<16xf32>,
      %mul3A_313 = arith.constant 4 : i32
      %mul3A_314 = arith.muli %add3A_260, %mul3A_313 : i32
      %add3A_315 = arith.constant 2 : i32
      %add3A_316 = arith.addi %mul3A_314, %add3A_315 : i32
      %mul3A_317 = arith.constant 16 : i32
      %mul3A_318 = arith.muli %add3A_316, %mul3A_317 : i32
      %get3A_319 = arith.index_cast %mul3A_318 : i32 to index
      %get3A_320 = tpu.vector_load %arg7[%get3A_319] {strides = array<i32>} : memref<8192xi32, #tpu.memory_space<vmem>>, vector<16xi32>,
      %mul3A_321 = arith.constant 4 : i32
      %mul3A_322 = arith.muli %add3A_260, %mul3A_321 : i32
      %add3A_323 = arith.constant 2 : i32
      %add3A_324 = arith.addi %mul3A_322, %add3A_323 : i32
      %mul3A_325 = arith.constant 16 : i32
      %mul3A_326 = arith.muli %add3A_324, %mul3A_325 : i32
      %add3A_327 = arith.constant 0 : i32
      %add3A_328 = arith.addi %add3A_327, %mul3A_326 : i32
      %ge3A_329 = arith.constant 102400 : i32
      %ge3A_330 = vector.broadcast %ge3A_329 : i32 to vector<16xi32>
      %ge3A_331 = arith.cmpi sge, %get3A_320, %ge3A_330 : vector<16xi32>
      %sub3A_332 = arith.constant 97280 : i32
      %sub3A_333 = vector.broadcast %sub3A_332 : i32 to vector<16xi32>
      %sub3A_334 = arith.subi %get3A_320, %sub3A_333 : vector<16xi32>
      %gather3A_335 = tpu.vector_load_idx %arg5[%sub3A_334] masked %ge3A_331 : memref<102784xf32, #tpu.memory_space<vmem>>[vector<16xi32>], vector<16xf32>, vector<16xi1>
      %get3A_336 = arith.index_cast %add3A_328 : i32 to index
      %get3A_337 = tpu.vector_load %arg8[%get3A_336] {strides = array<i32>} : memref<16384xf32, #tpu.memory_space<vmem>>, vector<16xf32>,
      %select_n3A_338 = arith.select %ge3A_331, %gather3A_335, %get3A_337 : vector<16xi1>, vector<16xf32>
      %swap3A_339 = arith.index_cast %add3A_328 : i32 to index
      %swap3A_340 = tpu.vector_load %arg8[%swap3A_339] {strides = array<i32>} : memref<16384xf32, #tpu.memory_space<vmem>>, vector<16xf32>,
      tpu.vector_store %arg8[%swap3A_339], %select_n3A_338 {strides = array<i32>} : memref<16384xf32, #tpu.memory_space<vmem>>, vector<16xf32>,
      %mul3A_341 = arith.constant 4 : i32
      %mul3A_342 = arith.muli %add3A_260, %mul3A_341 : i32
      %add3A_343 = arith.constant 3 : i32
      %add3A_344 = arith.addi %mul3A_342, %add3A_343 : i32
      %mul3A_345 = arith.constant 16 : i32
      %mul3A_346 = arith.muli %add3A_344, %mul3A_345 : i32
      %get3A_347 = arith.index_cast %mul3A_346 : i32 to index
      %get3A_348 = tpu.vector_load %arg7[%get3A_347] {strides = array<i32>} : memref<8192xi32, #tpu.memory_space<vmem>>, vector<16xi32>,
      %mul3A_349 = arith.constant 4 : i32
      %mul3A_350 = arith.muli %add3A_260, %mul3A_349 : i32
      %add3A_351 = arith.constant 3 : i32
      %add3A_352 = arith.addi %mul3A_350, %add3A_351 : i32
      %mul3A_353 = arith.constant 16 : i32
      %mul3A_354 = arith.muli %add3A_352, %mul3A_353 : i32
      %add3A_355 = arith.constant 0 : i32
      %add3A_356 = arith.addi %add3A_355, %mul3A_354 : i32
      %ge3A_357 = arith.constant 102400 : i32
      %ge3A_358 = vector.broadcast %ge3A_357 : i32 to vector<16xi32>
      %ge3A_359 = arith.cmpi sge, %get3A_348, %ge3A_358 : vector<16xi32>
      %sub3A_360 = arith.constant 97280 : i32
      %sub3A_361 = vector.broadcast %sub3A_360 : i32 to vector<16xi32>
      %sub3A_362 = arith.subi %get3A_348, %sub3A_361 : vector<16xi32>
      %gather3A_363 = tpu.vector_load_idx %arg5[%sub3A_362] masked %ge3A_359 : memref<102784xf32, #tpu.memory_space<vmem>>[vector<16xi32>], vector<16xf32>, vector<16xi1>
      %get3A_364 = arith.index_cast %add3A_356 : i32 to index
      %get3A_365 = tpu.vector_load %arg8[%get3A_364] {strides = array<i32>} : memref<16384xf32, #tpu.memory_space<vmem>>, vector<16xf32>,
      %select_n3A_366 = arith.select %ge3A_359, %gather3A_363, %get3A_365 : vector<16xi1>, vector<16xf32>
      %swap3A_367 = arith.index_cast %add3A_356 : i32 to index
      %swap3A_368 = tpu.vector_load %arg8[%swap3A_367] {strides = array<i32>} : memref<16384xf32, #tpu.memory_space<vmem>>, vector<16xf32>,
      tpu.vector_store %arg8[%swap3A_367], %select_n3A_366 {strides = array<i32>} : memref<16384xf32, #tpu.memory_space<vmem>>, vector<16xf32>,
    }
    %scan3A_250 = arith.constant 128 : i32
    "tpu.region"() ({
      %run_scoped3A = tpu.sem_alloc : memref<!tpu.dma_semaphore, #tpu.memory_space<semaphore_mem>>
      %dma_start3A_256 = arith.constant 8192 : i32
      %dma_start3A_257 = tpu.memref_slice %arg2[%dma_start3A_256] : memref<16384xi32, #tpu.memory_space<hbm>> -> memref<8192xi32, #tpu.memory_space<hbm>>
      %dma_start3A_258 = arith.constant 8192 : i32
      %dma_start3A_259 = tpu.memref_slice %arg2[%dma_start3A_258] : memref<16384xi32, #tpu.memory_space<hbm>> -> memref<8192xi32, #tpu.memory_space<hbm>>
      tpu.enqueue_dma source(%dma_start3A_259 : memref<8192xi32, #tpu.memory_space<hbm>>) target(%arg7 : memref<8192xi32, #tpu.memory_space<vmem>>) target_semaphore(%run_scoped3A : memref<!tpu.dma_semaphore, #tpu.memory_space<semaphore_mem>>)
      %dma_wait3A_260 = arith.constant 8192 : i32
      %dma_wait3A_261 = tpu.memref_slice %arg2[%dma_wait3A_260] : memref<16384xi32, #tpu.memory_space<hbm>> -> memref<8192xi32, #tpu.memory_space<hbm>>
      %dma_wait3A_262 = arith.constant 8192 : i32
      %dma_wait3A_263 = tpu.memref_slice %arg2[%dma_wait3A_262] : memref<16384xi32, #tpu.memory_space<hbm>> -> memref<8192xi32, #tpu.memory_space<hbm>>
      tpu.wait_dma2 semaphore(%run_scoped3A : memref<!tpu.dma_semaphore, #tpu.memory_space<semaphore_mem>>) src(%dma_wait3A_263 : memref<8192xi32, #tpu.memory_space<hbm>>) dst(%arg7 : memref<8192xi32, #tpu.memory_space<vmem>>)
      tpu.yield
    }) : () -> ()
    %scan3A_251 = arith.constant 0 : i32
    %scan3A_252 = arith.constant 128 : i32
    %scan3A_253 = arith.addi %scan3A_251, %scan3A_252 : i32
    %scan3A_254 = arith.constant 1 : i32
    scf.for %scan3A_256 = %scan3A_251 to %scan3A_253 step %scan3A_254  : i32 {
      %mul3A_257 = arith.constant 1 : i32
      %mul3A_258 = arith.muli %scan3A_256, %mul3A_257 : i32
      %add3A_259 = arith.constant 0 : i32
      %add3A_260 = arith.addi %add3A_259, %mul3A_258 : i32
      %mul3A_261 = arith.constant 4 : i32
      %mul3A_262 = arith.muli %add3A_260, %mul3A_261 : i32
      %add3A_263 = arith.constant 0 : i32
      %add3A_264 = arith.addi %mul3A_262, %add3A_263 : i32
      %mul3A_265 = arith.constant 16 : i32
      %mul3A_266 = arith.muli %add3A_264, %mul3A_265 : i32
      %get3A_267 = arith.index_cast %mul3A_266 : i32 to index
      %get3A_268 = tpu.vector_load %arg7[%get3A_267] {strides = array<i32>} : memref<8192xi32, #tpu.memory_space<vmem>>, vector<16xi32>,
      %mul3A_269 = arith.constant 4 : i32
      %mul3A_270 = arith.muli %add3A_260, %mul3A_269 : i32
      %add3A_271 = arith.constant 0 : i32
      %add3A_272 = arith.addi %mul3A_270, %add3A_271 : i32
      %mul3A_273 = arith.constant 16 : i32
      %mul3A_274 = arith.muli %add3A_272, %mul3A_273 : i32
      %add3A_275 = arith.constant 8192 : i32
      %add3A_276 = arith.addi %add3A_275, %mul3A_274 : i32
      %ge3A = arith.constant 102400 : i32
      %ge3A_277 = vector.broadcast %ge3A : i32 to vector<16xi32>
      %ge3A_278 = arith.cmpi sge, %get3A_268, %ge3A_277 : vector<16xi32>
      %sub3A = arith.constant 97280 : i32
      %sub3A_279 = vector.broadcast %sub3A : i32 to vector<16xi32>
      %sub3A_280 = arith.subi %get3A_268, %sub3A_279 : vector<16xi32>
      %gather3A = tpu.vector_load_idx %arg5[%sub3A_280] masked %ge3A_278 : memref<102784xf32, #tpu.memory_space<vmem>>[vector<16xi32>], vector<16xf32>, vector<16xi1>
      %get3A_281 = arith.index_cast %add3A_276 : i32 to index
      %get3A_282 = tpu.vector_load %arg8[%get3A_281] {strides = array<i32>} : memref<16384xf32, #tpu.memory_space<vmem>>, vector<16xf32>,
      %select_n3A = arith.select %ge3A_278, %gather3A, %get3A_282 : vector<16xi1>, vector<16xf32>
      %swap3A_283 = arith.index_cast %add3A_276 : i32 to index
      %swap3A_284 = tpu.vector_load %arg8[%swap3A_283] {strides = array<i32>} : memref<16384xf32, #tpu.memory_space<vmem>>, vector<16xf32>,
      tpu.vector_store %arg8[%swap3A_283], %select_n3A {strides = array<i32>} : memref<16384xf32, #tpu.memory_space<vmem>>, vector<16xf32>,
      %mul3A_285 = arith.constant 4 : i32
      %mul3A_286 = arith.muli %add3A_260, %mul3A_285 : i32
      %add3A_287 = arith.constant 1 : i32
      %add3A_288 = arith.addi %mul3A_286, %add3A_287 : i32
      %mul3A_289 = arith.constant 16 : i32
      %mul3A_290 = arith.muli %add3A_288, %mul3A_289 : i32
      %get3A_291 = arith.index_cast %mul3A_290 : i32 to index
      %get3A_292 = tpu.vector_load %arg7[%get3A_291] {strides = array<i32>} : memref<8192xi32, #tpu.memory_space<vmem>>, vector<16xi32>,
      %mul3A_293 = arith.constant 4 : i32
      %mul3A_294 = arith.muli %add3A_260, %mul3A_293 : i32
      %add3A_295 = arith.constant 1 : i32
      %add3A_296 = arith.addi %mul3A_294, %add3A_295 : i32
      %mul3A_297 = arith.constant 16 : i32
      %mul3A_298 = arith.muli %add3A_296, %mul3A_297 : i32
      %add3A_299 = arith.constant 8192 : i32
      %add3A_300 = arith.addi %add3A_299, %mul3A_298 : i32
      %ge3A_301 = arith.constant 102400 : i32
      %ge3A_302 = vector.broadcast %ge3A_301 : i32 to vector<16xi32>
      %ge3A_303 = arith.cmpi sge, %get3A_292, %ge3A_302 : vector<16xi32>
      %sub3A_304 = arith.constant 97280 : i32
      %sub3A_305 = vector.broadcast %sub3A_304 : i32 to vector<16xi32>
      %sub3A_306 = arith.subi %get3A_292, %sub3A_305 : vector<16xi32>
      %gather3A_307 = tpu.vector_load_idx %arg5[%sub3A_306] masked %ge3A_303 : memref<102784xf32, #tpu.memory_space<vmem>>[vector<16xi32>], vector<16xf32>, vector<16xi1>
      %get3A_308 = arith.index_cast %add3A_300 : i32 to index
      %get3A_309 = tpu.vector_load %arg8[%get3A_308] {strides = array<i32>} : memref<16384xf32, #tpu.memory_space<vmem>>, vector<16xf32>,
      %select_n3A_310 = arith.select %ge3A_303, %gather3A_307, %get3A_309 : vector<16xi1>, vector<16xf32>
      %swap3A_311 = arith.index_cast %add3A_300 : i32 to index
      %swap3A_312 = tpu.vector_load %arg8[%swap3A_311] {strides = array<i32>} : memref<16384xf32, #tpu.memory_space<vmem>>, vector<16xf32>,
      tpu.vector_store %arg8[%swap3A_311], %select_n3A_310 {strides = array<i32>} : memref<16384xf32, #tpu.memory_space<vmem>>, vector<16xf32>,
      %mul3A_313 = arith.constant 4 : i32
      %mul3A_314 = arith.muli %add3A_260, %mul3A_313 : i32
      %add3A_315 = arith.constant 2 : i32
      %add3A_316 = arith.addi %mul3A_314, %add3A_315 : i32
      %mul3A_317 = arith.constant 16 : i32
      %mul3A_318 = arith.muli %add3A_316, %mul3A_317 : i32
      %get3A_319 = arith.index_cast %mul3A_318 : i32 to index
      %get3A_320 = tpu.vector_load %arg7[%get3A_319] {strides = array<i32>} : memref<8192xi32, #tpu.memory_space<vmem>>, vector<16xi32>,
      %mul3A_321 = arith.constant 4 : i32
      %mul3A_322 = arith.muli %add3A_260, %mul3A_321 : i32
      %add3A_323 = arith.constant 2 : i32
      %add3A_324 = arith.addi %mul3A_322, %add3A_323 : i32
      %mul3A_325 = arith.constant 16 : i32
      %mul3A_326 = arith.muli %add3A_324, %mul3A_325 : i32
      %add3A_327 = arith.constant 8192 : i32
      %add3A_328 = arith.addi %add3A_327, %mul3A_326 : i32
      %ge3A_329 = arith.constant 102400 : i32
      %ge3A_330 = vector.broadcast %ge3A_329 : i32 to vector<16xi32>
      %ge3A_331 = arith.cmpi sge, %get3A_320, %ge3A_330 : vector<16xi32>
      %sub3A_332 = arith.constant 97280 : i32
      %sub3A_333 = vector.broadcast %sub3A_332 : i32 to vector<16xi32>
      %sub3A_334 = arith.subi %get3A_320, %sub3A_333 : vector<16xi32>
      %gather3A_335 = tpu.vector_load_idx %arg5[%sub3A_334] masked %ge3A_331 : memref<102784xf32, #tpu.memory_space<vmem>>[vector<16xi32>], vector<16xf32>, vector<16xi1>
      %get3A_336 = arith.index_cast %add3A_328 : i32 to index
      %get3A_337 = tpu.vector_load %arg8[%get3A_336] {strides = array<i32>} : memref<16384xf32, #tpu.memory_space<vmem>>, vector<16xf32>,
      %select_n3A_338 = arith.select %ge3A_331, %gather3A_335, %get3A_337 : vector<16xi1>, vector<16xf32>
      %swap3A_339 = arith.index_cast %add3A_328 : i32 to index
      %swap3A_340 = tpu.vector_load %arg8[%swap3A_339] {strides = array<i32>} : memref<16384xf32, #tpu.memory_space<vmem>>, vector<16xf32>,
      tpu.vector_store %arg8[%swap3A_339], %select_n3A_338 {strides = array<i32>} : memref<16384xf32, #tpu.memory_space<vmem>>, vector<16xf32>,
      %mul3A_341 = arith.constant 4 : i32
      %mul3A_342 = arith.muli %add3A_260, %mul3A_341 : i32
      %add3A_343 = arith.constant 3 : i32
      %add3A_344 = arith.addi %mul3A_342, %add3A_343 : i32
      %mul3A_345 = arith.constant 16 : i32
      %mul3A_346 = arith.muli %add3A_344, %mul3A_345 : i32
      %get3A_347 = arith.index_cast %mul3A_346 : i32 to index
      %get3A_348 = tpu.vector_load %arg7[%get3A_347] {strides = array<i32>} : memref<8192xi32, #tpu.memory_space<vmem>>, vector<16xi32>,
      %mul3A_349 = arith.constant 4 : i32
      %mul3A_350 = arith.muli %add3A_260, %mul3A_349 : i32
      %add3A_351 = arith.constant 3 : i32
      %add3A_352 = arith.addi %mul3A_350, %add3A_351 : i32
      %mul3A_353 = arith.constant 16 : i32
      %mul3A_354 = arith.muli %add3A_352, %mul3A_353 : i32
      %add3A_355 = arith.constant 8192 : i32
      %add3A_356 = arith.addi %add3A_355, %mul3A_354 : i32
      %ge3A_357 = arith.constant 102400 : i32
      %ge3A_358 = vector.broadcast %ge3A_357 : i32 to vector<16xi32>
      %ge3A_359 = arith.cmpi sge, %get3A_348, %ge3A_358 : vector<16xi32>
      %sub3A_360 = arith.constant 97280 : i32
      %sub3A_361 = vector.broadcast %sub3A_360 : i32 to vector<16xi32>
      %sub3A_362 = arith.subi %get3A_348, %sub3A_361 : vector<16xi32>
      %gather3A_363 = tpu.vector_load_idx %arg5[%sub3A_362] masked %ge3A_359 : memref<102784xf32, #tpu.memory_space<vmem>>[vector<16xi32>], vector<16xf32>, vector<16xi1>
      %get3A_364 = arith.index_cast %add3A_356 : i32 to index
      %get3A_365 = tpu.vector_load %arg8[%get3A_364] {strides = array<i32>} : memref<16384xf32, #tpu.memory_space<vmem>>, vector<16xf32>,
      %select_n3A_366 = arith.select %ge3A_359, %gather3A_363, %get3A_365 : vector<16xi1>, vector<16xf32>
      %swap3A_367 = arith.index_cast %add3A_356 : i32 to index
      %swap3A_368 = tpu.vector_load %arg8[%swap3A_367] {strides = array<i32>} : memref<16384xf32, #tpu.memory_space<vmem>>, vector<16xf32>,
      tpu.vector_store %arg8[%swap3A_367], %select_n3A_366 {strides = array<i32>} : memref<16384xf32, #tpu.memory_space<vmem>>, vector<16xf32>,
    }
    %scan3A_255 = arith.constant 128 : i32
    "tpu.region"() ({
      %run_scoped3A = tpu.sem_alloc : memref<!tpu.dma_semaphore, #tpu.memory_space<semaphore_mem>>
      %dma_start3A_256 = arith.constant 0 : i32
      %dma_start3A_257 = tpu.memref_slice %arg4[%add3A, %dma_start3A_256] : memref<64x16384xf32, #tpu.memory_space<hbm>> -> memref<1x16384xf32, #tpu.memory_space<hbm>>
      %dma_start3A_258 = tpu.memref_squeeze %dma_start3A_257 : memref<1x16384xf32, #tpu.memory_space<hbm>> -> memref<16384xf32, #tpu.memory_space<hbm>>
      %dma_start3A_259 = arith.constant 0 : i32
      %dma_start3A_260 = tpu.memref_slice %arg4[%add3A, %dma_start3A_259] : memref<64x16384xf32, #tpu.memory_space<hbm>> -> memref<1x16384xf32, #tpu.memory_space<hbm>>
      %dma_start3A_261 = tpu.memref_squeeze %dma_start3A_260 : memref<1x16384xf32, #tpu.memory_space<hbm>> -> memref<16384xf32, #tpu.memory_space<hbm>>
      tpu.enqueue_dma source(%arg8 : memref<16384xf32, #tpu.memory_space<vmem>>) target(%dma_start3A_261 : memref<16384xf32, #tpu.memory_space<hbm>>) target_semaphore(%run_scoped3A : memref<!tpu.dma_semaphore, #tpu.memory_space<semaphore_mem>>)
      %dma_wait3A_262 = arith.constant 0 : i32
      %dma_wait3A_263 = tpu.memref_slice %arg4[%add3A, %dma_wait3A_262] : memref<64x16384xf32, #tpu.memory_space<hbm>> -> memref<1x16384xf32, #tpu.memory_space<hbm>>
      %dma_wait3A_264 = tpu.memref_squeeze %dma_wait3A_263 : memref<1x16384xf32, #tpu.memory_space<hbm>> -> memref<16384xf32, #tpu.memory_space<hbm>>
      %dma_wait3A_265 = arith.constant 0 : i32
      %dma_wait3A_266 = tpu.memref_slice %arg4[%add3A, %dma_wait3A_265] : memref<64x16384xf32, #tpu.memory_space<hbm>> -> memref<1x16384xf32, #tpu.memory_space<hbm>>
      %dma_wait3A_267 = tpu.memref_squeeze %dma_wait3A_266 : memref<1x16384xf32, #tpu.memory_space<hbm>> -> memref<16384xf32, #tpu.memory_space<hbm>>
      tpu.wait_dma2 semaphore(%run_scoped3A : memref<!tpu.dma_semaphore, #tpu.memory_space<semaphore_mem>>) src(%arg8 : memref<16384xf32, #tpu.memory_space<vmem>>) dst(%dma_wait3A_267 : memref<16384xf32, #tpu.memory_space<hbm>>)
      tpu.yield
    }) : () -> ()
    return
  }
}

module attributes {stable_mosaic.version = 14 : i64} {
  func.func @_mlp_body(%arg0: i32, %arg1: memref<64x16384xf32, #tpu.memory_space<any>>, %arg2: memref<16384xf32, #tpu.memory_space<vmem>>, %arg3: memref<16384xf32, #tpu.memory_space<vmem>>, %arg4: memref<16384xf32, #tpu.memory_space<vmem>>, %arg5: memref<6xf32, #tpu.memory_space<smem>>, %arg6: memref<64x3xf32, #tpu.memory_space<vmem>>, %arg7: memref<64x1xf32, #tpu.memory_space<vmem>>, %arg8: memref<32x64xf32, #tpu.memory_space<vmem>>, %arg9: memref<32x1xf32, #tpu.memory_space<vmem>>, %arg10: memref<32x16384xf32, #tpu.memory_space<vmem>>) attributes {dimension_semantics = [#tpu.dimension_semantics<arbitrary>], iteration_bounds = array<i64: 1>, scalar_prefetch = 0 : i64, scratch_operands = 0 : i64, tpu.core_type = #tpu.core_type<tc>, window_params = [{}, {transform_indices = @transform_1, window_bounds = array<i64: 16384>}, {transform_indices = @transform_2, window_bounds = array<i64: 16384>}, {transform_indices = @transform_3, window_bounds = array<i64: 16384>}, {transform_indices = @transform_4, window_bounds = array<i64: 6>}, {pipeline_mode = #tpu.pipeline_mode<synchronous>, transform_indices = @transform_5, window_bounds = array<i64: 64, 3>}, {pipeline_mode = #tpu.pipeline_mode<synchronous>, transform_indices = @transform_6, window_bounds = array<i64: 64, 1>}, {pipeline_mode = #tpu.pipeline_mode<synchronous>, transform_indices = @transform_7, window_bounds = array<i64: 32, 64>}, {pipeline_mode = #tpu.pipeline_mode<synchronous>, transform_indices = @transform_8, window_bounds = array<i64: 32, 1>}, {transform_indices = @transform_9, window_bounds = array<i64: 32, 16384>}]} {
    %get3A = arith.constant 3 : index
    %get3A_0 = memref.load %arg5[%get3A] : memref<6xf32, #tpu.memory_space<smem>>
    %add3A = arith.constant 1.000000e-07 : f32
    %add3A_1 = arith.addf %get3A_0, %add3A : f32
    %rsqrt3A = math.rsqrt %add3A_1 : f32
    %get3A_2 = arith.constant 4 : index
    %get3A_3 = memref.load %arg5[%get3A_2] : memref<6xf32, #tpu.memory_space<smem>>
    %add3A_4 = arith.constant 1.000000e-07 : f32
    %add3A_5 = arith.addf %get3A_3, %add3A_4 : f32
    %rsqrt3A_6 = math.rsqrt %add3A_5 : f32
    %get3A_7 = arith.constant 5 : index
    %get3A_8 = memref.load %arg5[%get3A_7] : memref<6xf32, #tpu.memory_space<smem>>
    %add3A_9 = arith.constant 1.000000e-07 : f32
    %add3A_10 = arith.addf %get3A_8, %add3A_9 : f32
    %rsqrt3A_11 = math.rsqrt %add3A_10 : f32
    %get3A_12 = arith.constant 0 : index
    %get3A_13 = vector.load %arg2[%get3A_12] : memref<16384xf32, #tpu.memory_space<vmem>>, vector<16384xf32>
    %get3A_14 = arith.constant 0 : index
    %get3A_15 = memref.load %arg5[%get3A_14] : memref<6xf32, #tpu.memory_space<smem>>
    %sub3A = vector.broadcast %get3A_15 : f32 to vector<16384xf32>
    %sub3A_16 = arith.subf %get3A_13, %sub3A : vector<16384xf32>
    %mul3A = vector.broadcast %rsqrt3A : f32 to vector<16384xf32>
    %mul3A_17 = arith.mulf %sub3A_16, %mul3A : vector<16384xf32>
    %get3A_18 = arith.constant 0 : index
    %get3A_19 = vector.load %arg3[%get3A_18] : memref<16384xf32, #tpu.memory_space<vmem>>, vector<16384xf32>
    %get3A_20 = arith.constant 1 : index
    %get3A_21 = memref.load %arg5[%get3A_20] : memref<6xf32, #tpu.memory_space<smem>>
    %sub3A_22 = vector.broadcast %get3A_21 : f32 to vector<16384xf32>
    %sub3A_23 = arith.subf %get3A_19, %sub3A_22 : vector<16384xf32>
    %mul3A_24 = vector.broadcast %rsqrt3A_6 : f32 to vector<16384xf32>
    %mul3A_25 = arith.mulf %sub3A_23, %mul3A_24 : vector<16384xf32>
    %get3A_26 = arith.constant 0 : index
    %get3A_27 = vector.load %arg4[%get3A_26] : memref<16384xf32, #tpu.memory_space<vmem>>, vector<16384xf32>
    %get3A_28 = arith.constant 2 : index
    %get3A_29 = memref.load %arg5[%get3A_28] : memref<6xf32, #tpu.memory_space<smem>>
    %sub3A_30 = vector.broadcast %get3A_29 : f32 to vector<16384xf32>
    %sub3A_31 = arith.subf %get3A_27, %sub3A_30 : vector<16384xf32>
    %mul3A_32 = vector.broadcast %rsqrt3A_11 : f32 to vector<16384xf32>
    %mul3A_33 = arith.mulf %sub3A_31, %mul3A_32 : vector<16384xf32>
    %get3A_34 = arith.constant 0 : index
    %get3A_35 = arith.constant 0 : index
    %get3A_36 = vector.load %arg6[%get3A_34, %get3A_35] : memref<64x3xf32, #tpu.memory_space<vmem>>, vector<64x1xf32>
    %broadcast_in_dim3A = vector.shape_cast %mul3A_17 : vector<16384xf32> to vector<1x16384xf32>
    %mul3A_37 = vector.broadcast %get3A_36 : vector<64x1xf32> to vector<64x16384xf32>
    %mul3A_38 = vector.broadcast %broadcast_in_dim3A : vector<1x16384xf32> to vector<64x16384xf32>
    %mul3A_39 = arith.mulf %mul3A_37, %mul3A_38 : vector<64x16384xf32>
    %get3A_40 = arith.constant 0 : index
    %get3A_41 = arith.constant 1 : index
    %get3A_42 = vector.load %arg6[%get3A_40, %get3A_41] : memref<64x3xf32, #tpu.memory_space<vmem>>, vector<64x1xf32>
    %broadcast_in_dim3A_43 = vector.shape_cast %mul3A_25 : vector<16384xf32> to vector<1x16384xf32>
    %mul3A_44 = vector.broadcast %get3A_42 : vector<64x1xf32> to vector<64x16384xf32>
    %mul3A_45 = vector.broadcast %broadcast_in_dim3A_43 : vector<1x16384xf32> to vector<64x16384xf32>
    %mul3A_46 = arith.mulf %mul3A_44, %mul3A_45 : vector<64x16384xf32>
    %add3A_47 = arith.addf %mul3A_39, %mul3A_46 : vector<64x16384xf32>
    %get3A_48 = arith.constant 0 : index
    %get3A_49 = arith.constant 2 : index
    %get3A_50 = vector.load %arg6[%get3A_48, %get3A_49] : memref<64x3xf32, #tpu.memory_space<vmem>>, vector<64x1xf32>
    %broadcast_in_dim3A_51 = vector.shape_cast %mul3A_33 : vector<16384xf32> to vector<1x16384xf32>
    %mul3A_52 = vector.broadcast %get3A_50 : vector<64x1xf32> to vector<64x16384xf32>
    %mul3A_53 = vector.broadcast %broadcast_in_dim3A_51 : vector<1x16384xf32> to vector<64x16384xf32>
    %mul3A_54 = arith.mulf %mul3A_52, %mul3A_53 : vector<64x16384xf32>
    %add3A_55 = arith.addf %add3A_47, %mul3A_54 : vector<64x16384xf32>
    %get3A_56 = arith.constant 0 : index
    %get3A_57 = arith.constant 0 : index
    %get3A_58 = vector.load %arg7[%get3A_56, %get3A_57] : memref<64x1xf32, #tpu.memory_space<vmem>>, vector<64x1xf32>
    %add3A_59 = vector.broadcast %get3A_58 : vector<64x1xf32> to vector<64x16384xf32>
    %add3A_60 = arith.addf %add3A_55, %add3A_59 : vector<64x16384xf32>
    %max3A = arith.constant 0.000000e+00 : f32
    %max3A_61 = vector.broadcast %max3A : f32 to vector<64x16384xf32>
    %max3A_62 = arith.maximumf %add3A_60, %max3A_61 : vector<64x16384xf32>
    %get3A_63 = arith.constant 0 : index
    %get3A_64 = arith.constant 0 : index
    %get3A_65 = vector.load %arg8[%get3A_63, %get3A_64] : memref<32x64xf32, #tpu.memory_space<vmem>>, vector<32x64xf32>
    %dot_general3A = arith.constant dense<0.000000e+00> : vector<32x16384xf32>
    %dot_general3A_66 = tpu.matmul %get3A_65, %max3A_62, %dot_general3A {dimension_numbers = #tpu.dot_dimension_numbers<[1], [0], [0], [1], [0, 0, 1, 1], [], []>, transpose_lhs_hint = false} : vector<32x64xf32>, vector<64x16384xf32>, vector<32x16384xf32> -> vector<32x16384xf32>
    %get3A_67 = arith.constant 0 : index
    %get3A_68 = arith.constant 0 : index
    %get3A_69 = vector.load %arg9[%get3A_67, %get3A_68] : memref<32x1xf32, #tpu.memory_space<vmem>>, vector<32x1xf32>
    %add3A_70 = vector.broadcast %get3A_69 : vector<32x1xf32> to vector<32x16384xf32>
    %add3A_71 = arith.addf %dot_general3A_66, %add3A_70 : vector<32x16384xf32>
    %swap3A = arith.constant 0 : index
    %swap3A_72 = arith.constant 0 : index
    %swap3A_73 = vector.load %arg10[%swap3A, %swap3A_72] : memref<32x16384xf32, #tpu.memory_space<vmem>>, vector<32x16384xf32>
    tpu.vector_store %arg10[%swap3A, %swap3A_72], %add3A_71 {strides = array<i32>} : memref<32x16384xf32, #tpu.memory_space<vmem>>, vector<32x16384xf32>,
    return
  }
  func.func @transform_1(%arg0: i32) -> i32 {
    %c0_i32 = arith.constant 0 : i32
    return %arg0 : i32
  }
  func.func @transform_2(%arg0: i32) -> i32 {
    %c0_i32 = arith.constant 0 : i32
    return %arg0 : i32
  }
  func.func @transform_3(%arg0: i32) -> i32 {
    %c0_i32 = arith.constant 0 : i32
    return %arg0 : i32
  }
  func.func @transform_4(%arg0: i32) -> i32 {
    %c0_i32 = arith.constant 0 : i32
    %c0_i32_0 = arith.constant 0 : i32
    return %c0_i32 : i32
  }
  func.func @transform_5(%arg0: i32) -> (i32, i32) {
    %c0_i32 = arith.constant 0 : i32
    %c0_i32_0 = arith.constant 0 : i32
    %c0_i32_1 = arith.constant 0 : i32
    return %c0_i32, %c0_i32_0 : i32, i32
  }
  func.func @transform_6(%arg0: i32) -> (i32, i32) {
    %c0_i32 = arith.constant 0 : i32
    %c0_i32_0 = arith.constant 0 : i32
    %c0_i32_1 = arith.constant 0 : i32
    return %c0_i32, %c0_i32_0 : i32, i32
  }
  func.func @transform_7(%arg0: i32) -> (i32, i32) {
    %c0_i32 = arith.constant 0 : i32
    %c0_i32_0 = arith.constant 0 : i32
    %c0_i32_1 = arith.constant 0 : i32
    return %c0_i32, %c0_i32_0 : i32, i32
  }
  func.func @transform_8(%arg0: i32) -> (i32, i32) {
    %c0_i32 = arith.constant 0 : i32
    %c0_i32_0 = arith.constant 0 : i32
    %c0_i32_1 = arith.constant 0 : i32
    return %c0_i32, %c0_i32_0 : i32, i32
  }
  func.func @transform_9(%arg0: i32) -> (i32, i32) {
    %c1_i32 = arith.constant 1 : i32
    %c0_i32 = arith.constant 0 : i32
    return %c1_i32, %arg0 : i32, i32
  }
}

</mosaic_0001>

<sc_bundles>
// kernel: kernel.4.cloned.1.call-start
scs
__scs_entry_jumppad:
0x0: {  	(pc) =	sbr.rel $0x88, $3  }
0x1: {  	(tag) =	ssettag $0x0;
	lr =	simm.s32 $0x1  }
0x2: {  	[smem:$0x3F96] =	sst lr;
	_ =	strace $0xD0000000  }
0x3: {  	_ = 	snop  }
0x4: {  	_ = 	snop  }
0x5: {  	_ = 	snop  }
0x6: {  	_ = 	snop  }
0x7: {  	_ = 	snop  }
__scs_overlays_trampoline_lowered:
0x8: {  	[smem:$0x3FA5] =	sst s0  }
0x9: {  	[smem:$0x3FA6] =	sst s1  }
0xa: {  	[smem:$0x3FA7] =	sst s2  }
0xb: {  	[smem:$0x3FA8] =	sst s3  }
0xc: {  	[smem:$0x3FA9] =	sst s4  }
0xd: {  	[smem:$0x3FAA] =	sst s5  }
0xe: {  	[smem:$0x3FAB] =	sst s6  }
0xf: {  	[smem:$0x3FAC] =	sst s7  }
0x10: {  	[smem:$0x3FAD] =	sst s8  }
0x11: {  	[smem:$0x3FAE] =	sst s9;
	s0 =	simm.s32 @!p0 $0x0  }
0x12: {  	s1 =	sld [smem:$0x3F94];
	s0 =	simm.s32 @p0 $0x1  }
0x13: {  	[smem:$0x3FAF] =	sst s0;
	s0 =	simm.s32 @!p1 $0x0  }
0x14: {  	s2 =	sld [smem:$0x3F93];
	s0 =	simm.s32 @p1 $0x1  }
0x15: {  	[smem:$0x3FB0] =	sst s0;
	s0 =	simm.s32 @!p2 $0x0  }
0x16: {  	s3 =	sld [smem:$0x3FDB];
	s0 =	simm.s32 @p2 $0x1  }
0x17: {  	s4 =	simm.s32 $0x1BF5;
	[smem:$0x3FB2] =	sst s0  }
0x18: {  	s0 =	sld [smem:$0x3F95];
	_ =	swait.ge [sflag:s4], $0x0  }
0x19: {  	s7 =	sld [smem:$0x3F96]  }
0x1a: {  	s8 =	sadd.s32 $0xFFFFE003, lr  }
0x1b: {  	s9 =	sadd.s32 $0xFFFFFEF7, lr;
	s5 =	simm.s32 $0xFFFFFFFF;
	p2 =	slt.u32 s8, $0xFFFFF086  }
0x1c: {  	p1 =	slt.u32 s9, $0xF7A;
	s5 =	simm.s32 @!p2 $0x0  }
0x1d: {  	s5 =	simm.s32 @p1 $0x1;
	p0 =	seq.s32 s7, s2  }
0x1e: {  	s7 =	smul.u32 @!p0 $0xF7A, s2;
	p2 =	seq.s32 @!p0 s5, $0x0  }
0x1f: {  	s9 =	smul.u32 $0xF7A, s1;
	s8 =	simm.s32 @!p0 $0x1BF5;
	p2 =	por !p2, p0  }
0x20: {  	[sflag:s8] =	ssyncset.s32 @!p0 $0xFFFFF086;
	s6 =	sadd.s32 @!p0 s3, s7;
	s7 =	simm.s32 @!p0 $0x108  }
0x21: {  	s3 =	sadd.s32 s3, s9;
	s6 =	sadd.s32 @!p0 $0x88, s6;
	s7 =	simm.s32 @p2 $0x1082  }
0x22: {  	[simem:s7], [sflag:s8] =	dma.local @!p0 [hbm:s6], $0xF7A  }
0x23: {  	s9 =	sor.u32 $0xD0000000, s2;
	s6 =	simm.s32 $0x108;
	_ =	swait.ge @!p0 [sflag:s8], $0x0  }
0x24: {  	s3 =	sadd.s32 $0x88, s3;
	s6 =	simm.s32 @!p1 $0x1082;
	[sflag:s4] =	ssyncset.s32 $0xFFFFF086  }
0x25: {  	[simem:s6], [sflag:s4] =	dma.local [hbm:s3], $0xF7A  }
0x26: {  	[smem:$0x3F96] =	sst s1;
	(tag) =	ssettag s2;
	_ =	strace s9  }
0x27: {  	s1 =	sld [smem:$0x3FA6]  }
0x28: {  	s2 =	sld [smem:$0x3FA7]  }
0x29: {  	s4 =	sld [smem:$0x3FA9]  }
0x2a: {  	p0 =	seq.s32 s5, $0x0;
	s5 =	sld [smem:$0x3FAA]  }
0x2b: {  	s6 =	sld [smem:$0x3FAB]  }
0x2c: {  	s7 =	sld [smem:$0x3FAC]  }
0x2d: {  	s3 =	simm.s32 $0x108;
	s8 =	sld [smem:$0x3FAD]  }
0x2e: {  	s3 =	simm.s32 @!p0 $0x1082;
	s9 =	sld [smem:$0x3FAE]  }
0x2f: {  	lr =	sadd.s32 s0, s3;
	s0 =	sld [smem:$0x3FA5]  }
0x30: {  	s3 =	sld [smem:$0x3FA8]  }
0x31: {  	[smem:$0x3FB1] =	sst s10  }
0x32: {  	s10 =	sld [smem:$0x3FAF];
	_ =	sdelay $0x3  }
0x33: {  	p0 =	seq.s32 s10, $0x1;
	s10 =	sld [smem:$0x3FB1];
	_ =	sdelay $0x3  }
0x34: {  	[smem:$0x3FB1] =	sst s10  }
0x35: {  	s10 =	sld [smem:$0x3FB0];
	_ =	sdelay $0x3  }
0x36: {  	p1 =	seq.s32 s10, $0x1;
	s10 =	sld [smem:$0x3FB1];
	_ =	sdelay $0x3  }
0x37: {  	[smem:$0x3FB1] =	sst s10  }
0x38: {  	s10 =	sld [smem:$0x3FB2]  }
0x39: {  	_ = 	snop;
	(pc) =	sbr.ind lr, $3  }
0x3a: {  	_ = 	snop  }
0x3b: {  	_ = 	snop  }
0x3c: {  	p2 =	seq.s32 s10, $0x1;
	s10 =	sld [smem:$0x3FB1]  }
0x3d: {  	_ =	shalt  }
0x3e: {  	_ =	shalt  }
0x3f: {  	_ =	shalt  }
0x40: {  	_ =	shalt  }
0x41: {  	_ =	shalt  }
0x42: {  	_ =	shalt  }
0x43: {  	_ =	shalt  }
0x44: {  	_ =	shalt  }
0x45: {  	_ =	shalt  }
0x46: {  	_ =	shalt  }
0x47: {  	_ =	shalt  }
0x48: {  	_ =	shalt  }
0x49: {  	_ =	shalt  }
0x4a: {  	_ =	shalt  }
0x4b: {  	_ =	shalt  }
0x4c: {  	_ =	shalt  }
0x4d: {  	_ =	shalt  }
0x4e: {  	_ =	shalt  }
0x4f: {  	_ =	shalt  }
0x50: {  	_ =	shalt  }
0x51: {  	_ =	shalt  }
0x52: {  	_ =	shalt  }
0x53: {  	_ =	shalt  }
0x54: {  	_ =	shalt  }
0x55: {  	_ =	shalt  }
0x56: {  	_ =	shalt  }
0x57: {  	_ =	shalt  }
0x58: {  	_ =	shalt  }
0x59: {  	_ =	shalt  }
0x5a: {  	_ =	shalt  }
0x5b: {  	_ =	shalt  }
0x5c: {  	_ =	shalt  }
0x5d: {  	_ =	shalt  }
0x5e: {  	_ =	shalt  }
0x5f: {  	_ =	shalt  }
0x60: {  	_ =	shalt  }
0x61: {  	_ =	shalt  }
0x62: {  	_ =	shalt  }
0x63: {  	_ =	shalt  }
0x64: {  	_ =	shalt  }
0x65: {  	_ =	shalt  }
0x66: {  	_ =	shalt  }
0x67: {  	_ =	shalt  }
0x68: {  	_ =	shalt  }
0x69: {  	_ =	shalt  }
0x6a: {  	_ =	shalt  }
0x6b: {  	_ =	shalt  }
0x6c: {  	_ =	shalt  }
0x6d: {  	_ =	shalt  }
0x6e: {  	_ =	shalt  }
0x6f: {  	_ =	shalt  }
0x70: {  	_ =	shalt  }
0x71: {  	_ =	shalt  }
0x72: {  	_ =	shalt  }
0x73: {  	_ =	shalt  }
0x74: {  	_ =	shalt  }
0x75: {  	_ =	shalt  }
0x76: {  	_ =	shalt  }
0x77: {  	_ =	shalt  }
0x78: {  	_ =	shalt  }
0x79: {  	_ =	shalt  }
0x7a: {  	_ =	shalt  }
0x7b: {  	_ =	shalt  }
0x7c: {  	_ =	shalt  }
0x7d: {  	_ =	shalt  }
0x7e: {  	_ =	shalt  }
0x7f: {  	_ =	shalt  }
0x80: {  	_ =	shalt  }
0x81: {  	_ =	shalt  }
0x82: {  	_ =	shalt  }
0x83: {  	_ =	shalt  }
0x84: {  	_ =	shalt  }
0x85: {  	_ =	shalt  }
0x86: {  	_ =	shalt  }
0x87: {  	_ =	shalt  }
.Lfunc_end0:
.L_simem_size_0:
called_computation_lowered:
.L_overlay_start_0:
0x88: {  	s2 =	sld [smem:$0x3FD9]  }
0x89: {  	s3 =	sld [smem:$0x3FFE];
	_ =	sdelay $0x1  }
0x8a: {  	s1 =	srdreg.scid  }
0x8b: {  	s0 =	sand.u32 $0x1, s1  }
0x8c: {  	s18 =	sshll.u32 s0, $0xA;
	s2 =	sadd.s32 s3, s2  }
0x8d: {  	s2 =	sadd.s32 s2, s18  }
0x8e: {  	[smem:$0x3FBD] =	sst s2  }
0x8f: {  	_ = 	snop  }
0x90: {  	s2 =	sld [smem:$0x3FC9]  }
0x91: {  	s19 =	sld [smem:$0x3FC5]  }
0x92: {  	s4 =	sld [smem:$0x3FD0];
	(tm) =	ssettm $0x1  }
0x93: {  	s5 =	sld [smem:$0x3FFB];
	_ =	sdelay $0x3  }
0x94: {  	_ =	strace s5  }
0x95: {  	s5 =	sld [smem:$0x3FFC];
	_ =	sdelay $0x3  }
0x96: {  	_ =	strace s5  }
0x97: {  	s5 =	sld [smem:$0x3FFD];
	_ =	sdelay $0x3  }
0x98: {  	_ =	strace s5  }
0x99: {  	_ =	strace $0x8FFFFFFF  }
0x9a: {  	s20 =	sld [smem:$0x3FDB];
	_ =	sdelay $0x1  }
0x9b: {  	s6 =	simm.s32 $_scs_section_size  }
0x9c: {  	s7 =	simm.s32 $_size__tile_overlayer_lowered;
	s8 =	simm.s32 $_tile_overlayer_lowered  }
0x9d: {  	s23 =	simm.s32 $0x1BFF;
	s22 =	sshll.u32 s8, $0x1;
	s5 =	sadd.s32 s6, s20  }
0x9e: {  	s9 =	simm.s32 $0x0;
	s21 =	sshll.u32 s7, $0x1;
	s7 =	sadd.s32 s22, s5  }
0x9f: {  	[timem:s9], [sflag:s23] =	dma.local [hbm:s7], s21  }
0xa0: {  	_ =	swait.ge [sflag:s23], s21  }
0xa1: {  	s6 =	ssub.s32 $0x0, s21;
	[sflag:s23] =	ssyncset.done $0x0  }
0xa2: {  	[sflag:s23] =	ssyncadd.s32 s6;
	_ =	sdelay $0x1  }
0xa3: {  	s24 =	simm.s32 $0x1B8B  }
0xa4: {  	_ =	swait.ge [sflag:s24], $0x1  }
0xa5: {  	[sflag:s24] =	ssyncset.done $0x0  }
0xa6: {  	s25 =	simm.s32 $0x1B8E;
	[sflag:s24] =	ssyncadd.s32 $0xFFFFFFFF  }
0xa7: {  	s26 =	simm.s32 $execute0_lowered;
	[smem:$0x3FD2] =	sst s25  }
0xa8: {  	s6 =	sshll.u32 s26, $0x1;
	_ =	strace $0x80000046;
	[dreg:$0x1] =	wrdreg $0xFFFFFFFF  }
0xa9: {  	s28 =	simm.s32 $_size_execute0_lowered;
	s5 =	sadd.s32 s5, s6;
	[dreg:$0x0] =	wrdreg $0x0  }
0xaa: {  	s6 =	sshll.u32 s28, $0x1;
	[dreg:$0x2] =	wrdreg s5  }
0xab: {  	[dreg:$0x3] =	wrdreg s6  }
0xac: {  	[dreg:$0x4] =	wrdreg $0xC0  }
0xad: {  	_ =	task [dreg:s9], $0x5FFFF  }
0xae: {  	[dreg:$0x1] =	wrdreg $0xFFFFFFFF  }
0xaf: {  	[dreg:$0x0] =	wrdreg $0x60  }
0xb0: {  	[dreg:$0x2] =	wrdreg s2  }
0xb1: {  	[dreg:$0x3] =	wrdreg s19  }
0xb2: {  	[dreg:$0x4] =	wrdreg s4  }
0xb3: {  	[dreg:$0x5] =	wrdreg $0x9  }
0xb4: {  	_ =	task.clear_ibuf [dreg:s9], $0x6FFFF;
	_ =	strace $0x90000046  }
0xb5: {  	s29 =	simm.s32 $0x9;
	_ =	strace $0x80000048  }
0xb6: {  	_ =	swait.ge [sflag:s29], $0x1  }
0xb7: {  	[sflag:s29] =	ssyncadd.s32 $0xFFFFFFFF  }
0xb8: {  	_ =	strace $0x90000048  }
0xb9: {  	_ =	sfence  }
0xba: {  	s30 =	sld [smem:$0x0];
	_ =	sdelay $0x2  }
0xbb: {  	s31 =	sshll.u32 s1, $0xD;
	s1 =	sshrl.u32 s1, $0x2  }
0xbc: {  	s3 =	sand.u32 $0x4000, s31;
	s1 =	sadd.s32 s1, s30  }
0xbd: {  	s0 =	sor.u32 s3, s0;
	s1 =	sshll.u32 s1, $0x11  }
0xbe: {  	s0 =	sor.u32 s1, s0  }
0xbf: {  	s0 =	sadd.s32 $0x8F2B, s0  }
0xc0: {  	[sflag:s0] =	ssyncadd.remote.s32 $0x1  }
0xc1: {  	_ =	sfence.sel $0xFFFF  }
0xc2: {  	[dreg:$0x0] =	wrdreg $0xFFFFFFFF;
	(pc) =	sbr.abs _section_cstart, $3  }
0xc3: {  	[dreg:$0x1] =	wrdreg $0xFFFFFFFF  }
0xc4: {  	_ =	task.clear_ibuf [dreg:s9], $0x2FFFF;
	_ =	strace $0x9FFFFFFF  }
0xc5: {  	(tm) =	ssettm $0x7FFFFFFF  }
tec
execute0_lowered:
.L_overlay_start_1:
0x0: {  	(tag) =	ssettag $0x1  }
0x1: {  	s13 =	rddreg [dreg:$0x1]  }
0x2: {  	s0 =	srdreg.scid;
	s14 =	rddreg [dreg:$0x2]  }
0x3: {  	s3 =	simm.s32 $0x0;
	s19 =	simm.s32 $0x2;
	s20 =	simm.s32 $0x6400  }
0x4: {  	s21 =	simm.s32 $0xC800;
	s22 =	simm.s32 $0x12C00;
	s23 =	simm.s32 $0x1  }
0x5: {  	s24 =	simm.s32 $0x19300;
	s25 =	simm.s32 $0x1B300;
	s4 =	sand.u32 $0x1, s0  }
0x6: {  	s0 =	stileid.u32;
	[smem:$0x7FF] =	sst s3;
	s1 =	sshll.u32 s4, $0x4  }
0x7: {  	s26 =	sshll.u32 s0, $0x7;
	s4 =	ssub.s32 $0x2, s4;
	s2 =	sor.u32 s0, s1  }
0x8: {  	s1 =	rddreg [dreg:$0x0];
	s15 =	sand.u32 $0x380, s26;
	s6 =	sshrl.u32 s4, $0x1  }
0x9: {  	s12 =	sshrl.u32 s2, $0x3;
	s2 =	rddreg [dreg:$0x3];
	_ =	strace $0x80000047  }
0xa: {  	s26 =	simm.s32 $0x0;
	s5 =	smul.u32 $0x186C00, s12;
	s12 =	sshll.u32 s12, $0x11  }
0xb: {  	s17 =	ssub.s32 s4, s6;
	s9 =	sadd.s32 $0x400, s1;
	s12 =	sor.u32 s15, s12  }
0xc: {  	s16 =	sor.u32 s15, s5;
	s31 =	sshrl.u32 s12, $0x3;
	s15 =	smax.u32 s17, $0x1  }
0xd: {  	s17 =	simm.s32 $0x400;
	s5 =	sadd.s32 $0x186000, s16;
	s28 =	sshrl.u32 s16, $0x3  }
0xe: {  	s29 =	sadd.s32 $0x32000, s16;
	s7 =	sadd.s32 $0x64000, s16;
	s8 =	sadd.s32 $0x96000, s16  }
0xf: {  	s10 =	sadd.s32 $0xBE000, s16;
	s11 =	sadd.s32 $0xF0000, s16;
	s18 =	sadd.s32 $0x122000, s16  }
0x10: {  	s16 =	sadd.s32 $0x154000, s16;
	s14 =	sadd.s32 s14, s31;
	s5 =	sshrl.u32 s5, $0x3  }
0x11: {  	s6 =	sshrl.u32 s29, $0x3;
	s7 =	sshrl.u32 s7, $0x3;
	s8 =	sshrl.u32 s8, $0x3  }
0x12: {  	s10 =	sshrl.u32 s10, $0x3;
	s11 =	sshrl.u32 s11, $0x3;
	s30 =	sshrl.u32 s18, $0x3  }
0x13: {  	s16 =	sshrl.u32 s16, $0x3;
	s18 =	simm.s32 $0x19180;
	s4 =	sadd.s32 s13, s5  }
0x14: {  	s5 =	sadd.s32 s13, s28;
	s6 =	sadd.s32 s13, s6;
	s7 =	sadd.s32 s13, s7  }
0x15: {  	s8 =	sadd.s32 s13, s8;
	s10 =	sadd.s32 s13, s10;
	s11 =	sadd.s32 s13, s11  }
0x16: {  	s12 =	sadd.s32 s13, s30;
	s13 =	sadd.s32 s13, s16;
	s16 =	simm.s32 $0x80  }
.LBB2_1:
0x17: {  	[tilespmem:s18], [sflag:$0x2] =	stream.strided.gather [hbm4b:s4+s16], $0x180, s17, s16, $0x38;
	[tilespmem:$0x1F300] =	vst v63  }
0x18: {  	_ =	swait.ge [sflag:s19], $0x180  }
0x19: {  	[sflag:s19] =	ssyncset.done $0x0  }
0x1a: {  	[sflag:s19] =	ssyncadd.s32 $0xFFFFFE80  }
0x1b: {  	[tilespmem:s3], [sflag:$0x1] =	stream.strided.gather [hbm4b:s5+s16], $0x6400, s17, s16, $0x38;
	[tilespmem:$0x1F300] =	vst v63  }
0x1c: {  	_ = 	snop  }
0x1d: {  	[tilespmem:s20], [sflag:$0x1] =	stream.strided.gather [hbm4b:s6+s16], $0x6400, s17, s16, $0x38;
	[tilespmem:$0x1F300] =	vst v63  }
0x1e: {  	_ = 	snop  }
0x1f: {  	[tilespmem:s21], [sflag:$0x1] =	stream.strided.gather [hbm4b:s7+s16], $0x6400, s17, s16, $0x38;
	[tilespmem:$0x1F300] =	vst v63  }
0x20: {  	_ = 	snop  }
0x21: {  	[tilespmem:s22], [sflag:$0x1] =	stream.strided.gather [hbm4b:s8+s16], $0x6400, s17, s16, $0x38;
	[tilespmem:$0x1F300] =	vst v63  }
0x22: {  	_ =	swait.ge [sflag:s23], $0x6400  }
0x23: {  	[sflag:s23] =	ssyncset.done $0x0  }
0x24: {  	[sflag:s23] =	ssyncadd.s32 $0xFFFF9C00  }
0x25: {  	_ =	swait.ge [sflag:s23], $0x6400  }
0x26: {  	[sflag:s23] =	ssyncset.done $0x0  }
0x27: {  	[sflag:s23] =	ssyncadd.s32 $0xFFFF9C00  }
0x28: {  	_ =	swait.ge [sflag:s23], $0x6400  }
0x29: {  	[sflag:s23] =	ssyncset.done $0x0  }
0x2a: {  	[sflag:s23] =	ssyncadd.s32 $0xFFFF9C00  }
0x2b: {  	_ =	swait.ge [sflag:s23], $0x6400  }
0x2c: {  	[sflag:s23] =	ssyncset.done $0x0  }
0x2d: {  	[sflag:s23] =	ssyncadd.s32 $0xFFFF9C00  }
0x2e: {  	[tilespmem:s24], [sflag:$0x2] =	stream.linear.gather [hbm4b:s1+s3], $0x2000, $0x38;
	[tilespmem:$0x1F300] =	vst v63  }
0x2f: {  	_ =	swait.ge [sflag:s19], $0x2000  }
0x30: {  	[sflag:s19] =	ssyncset.done $0x0  }
0x31: {  	s28 =	simm.s32 $0x0;
	[sflag:s19] =	ssyncadd.s32 $0xFFFFE000  }
0x32: {  	v0 =	vld [tilespmem:s28+$0x19300];
	_ =	sdelay $0x4  }
0x33: {  	vm0 =	vlt.s32 v0, $0x19000;
	_ =	sdelay $0x1  }
0x34: {  	v1 =	vld [tilespmem:s28+$0x19310];
	_ =	sdelay $0x3  }
0x35: {  	v0 =	vld.idx.msk [tilespmem:v0+s3+$0x0], vm0  }
0x36: {  	vm1 =	vlt.s32 v1, $0x19000;
	_ =	sdelay $0x1  }
0x37: {  	v2 =	vld [tilespmem:s28+$0x19320];
	_ =	sdelay $0x1  }
0x38: {  	v0 =	vnsel vm0, $0x0, v0  }
0x39: {  	[tilespmem:s28+$0x1B300] =	vst v0  }
0x3a: {  	v1 =	vld.idx.msk [tilespmem:v1+s3+$0x0], vm1  }
0x3b: {  	vm0 =	vlt.s32 v2, $0x19000;
	_ =	sdelay $0x1  }
0x3c: {  	v0 =	vld [tilespmem:s28+$0x19330];
	_ =	sdelay $0x1  }
0x3d: {  	v1 =	vnsel vm1, $0x0, v1  }
0x3e: {  	[tilespmem:s28+$0x1B310] =	vst v1  }
0x3f: {  	v1 =	vld.idx.msk [tilespmem:v2+s3+$0x0], vm0  }
0x40: {  	vm1 =	vlt.s32 v0, $0x19000;
	_ =	sdelay $0x1  }
0x41: {  	s30 =	simm.s32 $0x40;
	s29 =	simm.s32 $0x200  }
.LBB2_2:
0x42: {  	p0 =	sne.s32 s29, $0x7F00;
	v2 =	vld [tilespmem:s30+$0x19300]  }
0x43: {  	v1 =	vnsel vm0, $0x0, v1  }
0x44: {  	[tilespmem:s28+$0x1B320] =	vst v1  }
0x45: {  	v0 =	vld.idx.msk [tilespmem:v0+s3+$0x0], vm1;
	_ =	sdelay $0x1  }
0x46: {  	vm0 =	vlt.s32 v2, $0x19000;
	_ =	sdelay $0x2  }
0x47: {  	v1 =	vld [tilespmem:s30+$0x19310]  }
0x48: {  	v0 =	vnsel vm1, $0x0, v0  }
0x49: {  	[tilespmem:s28+$0x1B330] =	vst v0;
	s28 =	smov.u32 s30  }
0x4a: {  	v0 =	vld.idx.msk [tilespmem:v2+s3+$0x0], vm0;
	_ =	sdelay $0x1  }
0x4b: {  	vm1 =	vlt.s32 v1, $0x19000;
	_ =	sdelay $0x2  }
0x4c: {  	v2 =	vld [tilespmem:s28+$0x19320]  }
0x4d: {  	v0 =	vnsel vm0, $0x0, v0  }
0x4e: {  	[tilespmem:s28+$0x1B300] =	vst v0  }
0x4f: {  	v1 =	vld.idx.msk [tilespmem:v1+s3+$0x0], vm1;
	_ =	sdelay $0x1  }
0x50: {  	vm0 =	vlt.s32 v2, $0x19000;
	_ =	sdelay $0x2  }
0x51: {  	v0 =	vld [tilespmem:s28+$0x19330]  }
0x52: {  	v1 =	vnsel vm1, $0x0, v1  }
0x53: {  	[tilespmem:s28+$0x1B310] =	vst v1  }
.Ltmp0:
0x54: {  	v1 =	vld.idx.msk [tilespmem:v2+s3+$0x0], vm0;
	(pc) =	sbr.rel @p0 .LBB2_2-.Ltmp0, $3  }
0x55: {  	_ = 	snop  }
0x56: {  	vm1 =	vlt.s32 v0, $0x19000;
	_ =	sdelay $0x1  }
0x57: {  	s30 =	sshra.s32 s29, $0x2;
	s29 =	sadd.s32 $0x100, s29  }
0x58: {  	_ = 	snop  }
0x59: {  	v2 =	vld [tilespmem:s30+$0x19300];
	_ =	sdelay $0x1  }
0x5a: {  	v1 =	vnsel vm0, $0x0, v1  }
0x5b: {  	[tilespmem:s28+$0x1B320] =	vst v1  }
0x5c: {  	v0 =	vld.idx.msk [tilespmem:v0+s3+$0x0], vm1  }
0x5d: {  	vm12 =	vlt.s32 v2, $0x19000;
	_ =	sdelay $0x1  }
0x5e: {  	v1 =	vld [tilespmem:s30+$0x19310];
	_ =	sdelay $0x1  }
0x5f: {  	v0 =	vnsel vm1, $0x0, v0  }
0x60: {  	[tilespmem:s28+$0x1B330] =	vst v0  }
0x61: {  	v0 =	vld.idx.msk [tilespmem:v2+s3+$0x0], vm12  }
0x62: {  	vm13 =	vlt.s32 v1, $0x19000;
	_ =	sdelay $0x1  }
0x63: {  	v62 =	vld [tilespmem:s30+$0x19320];
	_ =	sdelay $0x1  }
0x64: {  	v0 =	vnsel vm12, $0x0, v0  }
0x65: {  	[tilespmem:s30+$0x1B300] =	vst v0  }
0x66: {  	v0 =	vld.idx.msk [tilespmem:v1+s3+$0x0], vm13  }
0x67: {  	vm14 =	vlt.s32 v62, $0x19000;
	_ =	sdelay $0x1  }
0x68: {  	v63 =	vld [tilespmem:s30+$0x19330];
	_ =	sdelay $0x1  }
0x69: {  	v0 =	vnsel vm13, $0x0, v0  }
0x6a: {  	[tilespmem:s30+$0x1B310] =	vst v0  }
0x6b: {  	v0 =	vld.idx.msk [tilespmem:v62+s3+$0x0], vm14  }
0x6c: {  	vm15 =	vlt.s32 v63, $0x19000;
	_ =	sdelay $0x3  }
0x6d: {  	v0 =	vnsel vm14, $0x0, v0  }
0x6e: {  	[tilespmem:s30+$0x1B320] =	vst v0  }
0x6f: {  	v0 =	vld.idx.msk [tilespmem:v63+s3+$0x0], vm15;
	_ =	sdelay $0x4  }
0x70: {  	v0 =	vnsel vm15, $0x0, v0  }
0x71: {  	s28 =	simm.s32 $0x0;
	[tilespmem:s30+$0x1B330] =	vst v0  }
0x72: {  	[tilespmem:s24], [sflag:$0x2] =	stream.linear.gather [hbm4b:s9+s28], $0x2000, $0x38;
	[tilespmem:$0x1F300] =	vst v63  }
0x73: {  	_ =	swait.ge [sflag:s19], $0x2000  }
0x74: {  	[sflag:s19] =	ssyncset.done $0x0  }
0x75: {  	s29 =	simm.s32 $0x19320;
	s30 =	simm.s32 $0x1D330;
	[sflag:s19] =	ssyncadd.s32 $0xFFFFE000  }
.LBB2_4:
0x76: {  	v0 =	vld [tilespmem:s29+$0xFFFFFFE0];
	_ =	sdelay $0x4  }
0x77: {  	vm0 =	vlt.s32 v0, $0x19000;
	_ =	sdelay $0x5  }
0x78: {  	v0 =	vld.idx.msk [tilespmem:v0+s3+$0x0], vm0;
	_ =	sdelay $0x4  }
0x79: {  	s31 =	sand.u32 $0x1FC0, s28;
	v0 =	vnsel vm0, $0x0, v0  }
0x7a: {  	[tilespmem:s31+$0x1D300] =	vst v0  }
0x7b: {  	v0 =	vld [tilespmem:s29+$0xFFFFFFF0];
	_ =	sdelay $0x4  }
0x7c: {  	vm13 =	vlt.s32 v0, $0x19000;
	_ =	sdelay $0x5  }
0x7d: {  	v0 =	vld.idx.msk [tilespmem:v0+s3+$0x0], vm13;
	_ =	sdelay $0x4  }
0x7e: {  	v0 =	vnsel vm13, $0x0, v0  }
0x7f: {  	[tilespmem:s30+$0xFFFFFFE0] =	vst v0  }
0x80: {  	v0 =	vld [tilespmem:s29+$0x0];
	_ =	sdelay $0x4  }
0x81: {  	vm14 =	vlt.s32 v0, $0x19000;
	_ =	sdelay $0x5  }
0x82: {  	v0 =	vld.idx.msk [tilespmem:v0+s3+$0x0], vm14;
	_ =	sdelay $0x4  }
0x83: {  	v0 =	vnsel vm14, $0x0, v0  }
0x84: {  	[tilespmem:s30+$0xFFFFFFF0] =	vst v0  }
0x85: {  	v0 =	vld [tilespmem:s29+$0x10];
	_ =	sdelay $0x4  }
0x86: {  	vm15 =	vlt.s32 v0, $0x19000;
	_ =	sdelay $0x5  }
0x87: {  	v0 =	vld.idx.msk [tilespmem:v0+s3+$0x0], vm15  }
0x88: {  	p0 =	sne.s32 s28, $0x1FC0  }
.Ltmp1:
0x89: {  	_ = 	snop;
	(pc) =	sbr.rel @p0 .LBB2_4-.Ltmp1, $3  }
0x8a: {  	_ =	sdelay $0x1  }
0x8b: {  	v0 =	vnsel vm15, $0x0, v0  }
0x8c: {  	s28 =	sadd.s32 $0x40, s28;
	s29 =	sadd.s32 $0x40, s29;
	[tilespmem:s30+$0x0] =	vst v0;
	s30 =	sadd.s32 $0x40, s30  }
0x8d: {  	s28 =	simm.s32 $0x0  }
0x8e: {  	[tilespmem:s28], [sflag:$0x1] =	stream.strided.gather [hbm4b:s10+s16], $0x6400, s17, s16, $0x38;
	[tilespmem:$0x1F300] =	vst v63  }
0x8f: {  	_ = 	snop  }
0x90: {  	[tilespmem:s20], [sflag:$0x1] =	stream.strided.gather [hbm4b:s11+s16], $0x6400, s17, s16, $0x38;
	[tilespmem:$0x1F300] =	vst v63  }
0x91: {  	_ = 	snop  }
0x92: {  	[tilespmem:s21], [sflag:$0x1] =	stream.strided.gather [hbm4b:s12+s16], $0x6400, s17, s16, $0x38;
	[tilespmem:$0x1F300] =	vst v63  }
0x93: {  	_ = 	snop  }
0x94: {  	[tilespmem:s22], [sflag:$0x1] =	stream.strided.gather [hbm4b:s13+s16], $0x6400, s17, s16, $0x38;
	[tilespmem:$0x1F300] =	vst v63  }
0x95: {  	_ =	swait.ge [sflag:s23], $0x6400  }
0x96: {  	[sflag:s23] =	ssyncset.done $0x0  }
0x97: {  	[sflag:s23] =	ssyncadd.s32 $0xFFFF9C00  }
0x98: {  	_ =	swait.ge [sflag:s23], $0x6400  }
0x99: {  	[sflag:s23] =	ssyncset.done $0x0  }
0x9a: {  	[sflag:s23] =	ssyncadd.s32 $0xFFFF9C00  }
0x9b: {  	_ =	swait.ge [sflag:s23], $0x6400  }
0x9c: {  	[sflag:s23] =	ssyncset.done $0x0  }
0x9d: {  	[sflag:s23] =	ssyncadd.s32 $0xFFFF9C00  }
0x9e: {  	_ =	swait.ge [sflag:s23], $0x6400  }
0x9f: {  	[sflag:s23] =	ssyncset.done $0x0  }
0xa0: {  	[sflag:s23] =	ssyncadd.s32 $0xFFFF9C00  }
0xa1: {  	v0 =	vld [tilespmem:$0x19180]  }
0xa2: {  	v1 =	vld [tilespmem:$0x19190]  }
0xa3: {  	v2 =	vld [tilespmem:$0x191A0]  }
0xa4: {  	v3 =	vld [tilespmem:$0x191B0]  }
0xa5: {  	v4 =	vld [tilespmem:$0x191C0]  }
0xa6: {  	v61 =	vld [tilespmem:$0x19210];
	[tilespmem:$0x19000] =	vst v0  }
0xa7: {  	v0 =	vld [tilespmem:$0x191D0];
	[tilespmem:$0x19010] =	vst v1  }
0xa8: {  	v1 =	vld [tilespmem:$0x191E0];
	[tilespmem:$0x19020] =	vst v2  }
0xa9: {  	v2 =	vld [tilespmem:$0x191F0];
	[tilespmem:$0x19030] =	vst v3  }
0xaa: {  	v3 =	vld [tilespmem:$0x19200];
	[tilespmem:$0x19040] =	vst v4  }
0xab: {  	v62 =	vld [tilespmem:$0x19260];
	[tilespmem:$0x19090] =	vst v61  }
0xac: {  	[tilespmem:$0x19050] =	vst v0;
	v0 =	vld [tilespmem:$0x19220]  }
0xad: {  	[tilespmem:$0x19060] =	vst v1;
	v1 =	vld [tilespmem:$0x19230]  }
0xae: {  	[tilespmem:$0x19070] =	vst v2;
	v2 =	vld [tilespmem:$0x19240]  }
0xaf: {  	[tilespmem:$0x19080] =	vst v3;
	v3 =	vld [tilespmem:$0x19250]  }
0xb0: {  	v63 =	vld [tilespmem:$0x192B0];
	[tilespmem:$0x190E0] =	vst v62  }
0xb1: {  	[tilespmem:$0x190A0] =	vst v0;
	v0 =	vld [tilespmem:$0x19270]  }
0xb2: {  	[tilespmem:$0x190B0] =	vst v1;
	v1 =	vld [tilespmem:$0x19280]  }
0xb3: {  	[tilespmem:$0x190C0] =	vst v2;
	v2 =	vld [tilespmem:$0x19290]  }
0xb4: {  	[tilespmem:$0x190D0] =	vst v3;
	v3 =	vld [tilespmem:$0x192A0]  }
0xb5: {  	[tilespmem:$0x19130] =	vst v63  }
0xb6: {  	[tilespmem:$0x190F0] =	vst v0  }
0xb7: {  	[tilespmem:$0x19100] =	vst v1  }
0xb8: {  	[tilespmem:$0x19110] =	vst v2  }
0xb9: {  	[tilespmem:$0x19120] =	vst v3  }
0xba: {  	[tilespmem:s24], [sflag:$0x2] =	stream.linear.gather [hbm4b:s1+s28], $0x2000, $0x38;
	[tilespmem:$0x1F300] =	vst v63  }
0xbb: {  	_ =	swait.ge [sflag:s19], $0x2000  }
0xbc: {  	[sflag:s19] =	ssyncset.done $0x0  }
0xbd: {  	s28 =	simm.s32 $0x0;
	[sflag:s19] =	ssyncadd.s32 $0xFFFFE000  }
0xbe: {  	v0 =	vld [tilespmem:s28+$0x19300];
	_ =	sdelay $0x4  }
0xbf: {  	vm0 =	vgt.s32 v0, $0x18FFF  }
0xc0: {  	v0 =	vadd.s32 $0xFFFE8400, v0  }
0xc1: {  	v1 =	vld [tilespmem:s28+$0x19310];
	_ =	sdelay $0x2  }
0xc2: {  	v2 =	vld [tilespmem:s28+$0x1B300]  }
0xc3: {  	v0 =	vld.idx.msk [tilespmem:v0+s3+$0x0], vm0  }
0xc4: {  	vm1 =	vgt.s32 v1, $0x18FFF  }
0xc5: {  	v1 =	vadd.s32 $0xFFFE8400, v1;
	_ =	sdelay $0x1  }
0xc6: {  	v3 =	vld [tilespmem:s28+$0x19320]  }
0xc7: {  	v0 =	vsel vm0, v0, v2  }
0xc8: {  	[tilespmem:s28+$0x1B300] =	vst v0  }
0xc9: {  	v0 =	vld.idx.msk [tilespmem:v1+s3+$0x0], vm1  }
0xca: {  	v1 =	vld [tilespmem:s28+$0x1B310]  }
0xcb: {  	vm0 =	vgt.s32 v3, $0x18FFF  }
0xcc: {  	v2 =	vadd.s32 $0xFFFE8400, v3  }
0xcd: {  	v3 =	vld [tilespmem:s28+$0x19330];
	_ =	sdelay $0x1  }
0xce: {  	v0 =	vsel vm1, v0, v1  }
0xcf: {  	v1 =	vld [tilespmem:s28+$0x1B320];
	[tilespmem:s28+$0x1B310] =	vst v0  }
0xd0: {  	v0 =	vld.idx.msk [tilespmem:v2+s3+$0x0], vm0  }
0xd1: {  	vm1 =	vgt.s32 v3, $0x18FFF  }
0xd2: {  	v2 =	vadd.s32 $0xFFFE8400, v3  }
0xd3: {  	s30 =	simm.s32 $0x40;
	s29 =	simm.s32 $0x200  }
.LBB2_6:
0xd4: {  	p0 =	sne.s32 s29, $0x7F00;
	v3 =	vld [tilespmem:s30+$0x19300]  }
0xd5: {  	v0 =	vsel vm0, v0, v1  }
0xd6: {  	[tilespmem:s28+$0x1B320] =	vst v0  }
0xd7: {  	v0 =	vld.idx.msk [tilespmem:v2+s3+$0x0], vm1  }
0xd8: {  	v1 =	vld [tilespmem:s28+$0x1B330]  }
0xd9: {  	vm0 =	vgt.s32 v3, $0x18FFF  }
0xda: {  	v2 =	vadd.s32 $0xFFFE8400, v3;
	_ =	sdelay $0x1  }
0xdb: {  	v3 =	vld [tilespmem:s30+$0x19310]  }
0xdc: {  	v0 =	vsel vm1, v0, v1  }
0xdd: {  	[tilespmem:s28+$0x1B330] =	vst v0;
	s28 =	smov.u32 s30  }
0xde: {  	v0 =	vld.idx.msk [tilespmem:v2+s3+$0x0], vm0  }
0xdf: {  	v1 =	vld [tilespmem:s28+$0x1B300]  }
0xe0: {  	vm1 =	vgt.s32 v3, $0x18FFF  }
0xe1: {  	v2 =	vadd.s32 $0xFFFE8400, v3;
	_ =	sdelay $0x1  }
0xe2: {  	v3 =	vld [tilespmem:s28+$0x19320]  }
0xe3: {  	v0 =	vsel vm0, v0, v1  }
0xe4: {  	[tilespmem:s28+$0x1B300] =	vst v0  }
0xe5: {  	v0 =	vld.idx.msk [tilespmem:v2+s3+$0x0], vm1  }
0xe6: {  	v1 =	vld [tilespmem:s28+$0x1B310]  }
0xe7: {  	vm0 =	vgt.s32 v3, $0x18FFF  }
0xe8: {  	v2 =	vadd.s32 $0xFFFE8400, v3;
	_ =	sdelay $0x1  }
0xe9: {  	v3 =	vld [tilespmem:s28+$0x19330]  }
0xea: {  	v0 =	vsel vm1, v0, v1  }
0xeb: {  	[tilespmem:s28+$0x1B310] =	vst v0  }
.Ltmp2:
0xec: {  	v0 =	vld.idx.msk [tilespmem:v2+s3+$0x0], vm0;
	(pc) =	sbr.rel @p0 .LBB2_6-.Ltmp2, $4  }
0xed: {  	v1 =	vld [tilespmem:s28+$0x1B320]  }
0xee: {  	vm1 =	vgt.s32 v3, $0x18FFF  }
0xef: {  	v2 =	vadd.s32 $0xFFFE8400, v3  }
0xf0: {  	s30 =	sshra.s32 s29, $0x2;
	s29 =	sadd.s32 $0x100, s29  }
0xf1: {  	_ =	sdelay $0x1  }
0xf2: {  	v3 =	vld [tilespmem:s30+$0x19300]  }
0xf3: {  	v0 =	vsel vm0, v0, v1  }
0xf4: {  	v52 =	vld [tilespmem:s28+$0x1B330];
	[tilespmem:s28+$0x1B320] =	vst v0  }
0xf5: {  	v0 =	vld.idx.msk [tilespmem:v2+s3+$0x0], vm1;
	_ =	sdelay $0x1  }
0xf6: {  	vm12 =	vgt.s32 v3, $0x18FFF  }
0xf7: {  	v53 =	vadd.s32 $0xFFFE8400, v3  }
0xf8: {  	v54 =	vld [tilespmem:s30+$0x19310]  }
0xf9: {  	v0 =	vsel vm1, v0, v52  }
0xfa: {  	[tilespmem:s28+$0x1B330] =	vst v0  }
0xfb: {  	v55 =	vld [tilespmem:s30+$0x1B300]  }
0xfc: {  	v0 =	vld.idx.msk [tilespmem:v53+s3+$0x0], vm12  }
0xfd: {  	vm13 =	vgt.s32 v54, $0x18FFF  }
0xfe: {  	v56 =	vadd.s32 $0xFFFE8400, v54  }
0xff: {  	v57 =	vld [tilespmem:s30+$0x19320];
	_ =	sdelay $0x1  }
0x100: {  	v0 =	vsel vm12, v0, v55  }
0x101: {  	v58 =	vld [tilespmem:s30+$0x1B310];
	[tilespmem:s30+$0x1B300] =	vst v0  }
0x102: {  	v0 =	vld.idx.msk [tilespmem:v56+s3+$0x0], vm13  }
0x103: {  	vm14 =	vgt.s32 v57, $0x18FFF  }
0x104: {  	v59 =	vadd.s32 $0xFFFE8400, v57  }
0x105: {  	v60 =	vld [tilespmem:s30+$0x19330];
	_ =	sdelay $0x1  }
0x106: {  	v0 =	vsel vm13, v0, v58  }
0x107: {  	v61 =	vld [tilespmem:s30+$0x1B320];
	[tilespmem:s30+$0x1B310] =	vst v0  }
0x108: {  	v0 =	vld.idx.msk [tilespmem:v59+s3+$0x0], vm14  }
0x109: {  	vm15 =	vgt.s32 v60, $0x18FFF  }
0x10a: {  	v62 =	vadd.s32 $0xFFFE8400, v60;
	_ =	sdelay $0x2  }
0x10b: {  	v0 =	vsel vm14, v0, v61  }
0x10c: {  	v63 =	vld [tilespmem:s30+$0x1B330];
	[tilespmem:s30+$0x1B320] =	vst v0  }
0x10d: {  	v0 =	vld.idx.msk [tilespmem:v62+s3+$0x0], vm15;
	_ =	sdelay $0x4  }
0x10e: {  	v0 =	vsel vm15, v0, v63  }
0x10f: {  	s28 =	simm.s32 $0x0;
	[tilespmem:s30+$0x1B330] =	vst v0  }
0x110: {  	[tilespmem:s24], [sflag:$0x2] =	stream.linear.gather [hbm4b:s9+s28], $0x2000, $0x38;
	[tilespmem:$0x1F300] =	vst v63  }
0x111: {  	_ =	swait.ge [sflag:s19], $0x2000  }
0x112: {  	[sflag:s19] =	ssyncset.done $0x0  }
0x113: {  	s29 =	simm.s32 $0x19320;
	s30 =	simm.s32 $0x1D330;
	[sflag:s19] =	ssyncadd.s32 $0xFFFFE000  }
.LBB2_8:
0x114: {  	v0 =	vld [tilespmem:s29+$0xFFFFFFE0];
	_ =	sdelay $0x4  }
0x115: {  	vm0 =	vgt.s32 v0, $0x18FFF  }
0x116: {  	v0 =	vadd.s32 $0xFFFE8400, v0;
	_ =	sdelay $0x2  }
0x117: {  	s31 =	sand.u32 $0x1FC0, s28  }
0x118: {  	v1 =	vld [tilespmem:s31+$0x1D300]  }
0x119: {  	v0 =	vld.idx.msk [tilespmem:v0+s3+$0x0], vm0;
	_ =	sdelay $0x4  }
0x11a: {  	v0 =	vsel vm0, v0, v1  }
0x11b: {  	[tilespmem:s31+$0x1D300] =	vst v0  }
0x11c: {  	v0 =	vld [tilespmem:s29+$0xFFFFFFF0];
	_ =	sdelay $0x4  }
0x11d: {  	vm13 =	vgt.s32 v0, $0x18FFF  }
0x11e: {  	v0 =	vadd.s32 $0xFFFE8400, v0;
	_ =	sdelay $0x3  }
0x11f: {  	v61 =	vld [tilespmem:s30+$0xFFFFFFE0]  }
0x120: {  	v0 =	vld.idx.msk [tilespmem:v0+s3+$0x0], vm13;
	_ =	sdelay $0x4  }
0x121: {  	v0 =	vsel vm13, v0, v61  }
0x122: {  	[tilespmem:s30+$0xFFFFFFE0] =	vst v0  }
0x123: {  	v0 =	vld [tilespmem:s29+$0x0];
	_ =	sdelay $0x4  }
0x124: {  	vm14 =	vgt.s32 v0, $0x18FFF  }
0x125: {  	v0 =	vadd.s32 $0xFFFE8400, v0;
	_ =	sdelay $0x3  }
0x126: {  	v62 =	vld [tilespmem:s30+$0xFFFFFFF0]  }
0x127: {  	v0 =	vld.idx.msk [tilespmem:v0+s3+$0x0], vm14;
	_ =	sdelay $0x4  }
0x128: {  	v0 =	vsel vm14, v0, v62  }
0x129: {  	[tilespmem:s30+$0xFFFFFFF0] =	vst v0  }
0x12a: {  	v0 =	vld [tilespmem:s29+$0x10];
	_ =	sdelay $0x4  }
0x12b: {  	vm15 =	vgt.s32 v0, $0x18FFF  }
0x12c: {  	v0 =	vadd.s32 $0xFFFE8400, v0;
	_ =	sdelay $0x3  }
0x12d: {  	v63 =	vld [tilespmem:s30+$0x0]  }
0x12e: {  	v0 =	vld.idx.msk [tilespmem:v0+s3+$0x0], vm15  }
0x12f: {  	p0 =	sne.s32 s28, $0x1FC0  }
.Ltmp3:
0x130: {  	_ = 	snop;
	(pc) =	sbr.rel @p0 .LBB2_8-.Ltmp3, $3  }
0x131: {  	_ =	sdelay $0x1  }
0x132: {  	v0 =	vsel vm15, v0, v63  }
0x133: {  	s28 =	sadd.s32 $0x40, s28;
	s29 =	sadd.s32 $0x40, s29;
	[tilespmem:s30+$0x0] =	vst v0;
	s30 =	sadd.s32 $0x40, s30  }
0x134: {  	s26 =	sadd.s32 $0x1, s26  }
0x135: {  	p0 =	sne.s32 s26, s15  }
.Ltmp4:
0x136: {  	_ = 	snop;
	(pc) =	sbr.rel @p0 .LBB2_1-.Ltmp4, $4  }
0x137: {  	[hbm4b:s14+s16] =	stream.strided.scatter [tilespmem:s25], [sflag:$0x2], $0x4000, s17, s16, $0x38;
	[tilespmem:$0x1F300] =	vst v63  }
0x138: {  	_ =	swait.ge [sflag:s19], $0x4000  }
0x139: {  	[sflag:s19] =	ssyncset.done $0x0  }
0x13a: {  	[sflag:s19] =	ssyncadd.s32 $0xFFFFC000  }
0x13b: {  	_ =	sfence.sel $0x180000  }
0x13c: {  	[bflag:$0x0] =	sbarrier.arrive $0xFFFF  }
0x13d: {  	p0 =	sne.s32 s0, $0x0;
	_ =	strace $0x90000047  }
0x13e: {  	s0 =	sadd.s32 @!p0 $0x100000, s2;
	[bflag:$0x2] =	sbarrier.arrive $0xFFFF  }
0x13f: {  	[sflag:s0] =	ssyncadd.tile.s32 @!p0 $0x1;
	_ =	shalt  }
.Lfunc_end2:
_tile_overlayer_lowered:
.L_overlay_start_2:
0x140: {  	(tag) =	ssettag $0x2  }
0x141: {  	s0 =	rddreg [dreg:$0x0];
	s2 =	stileid.u32  }
0x142: {  	s1 =	rddreg [dreg:$0x1];
	p0 =	sne.s32 s2, $0x0  }
0x143: {  	s3 =	rddreg [dreg:$0x2];
	[bflag:$0x3] =	sbarrier.arrive $0xFFFF;
	s2 =	simm.s32 @!p0 $0x1C02  }
0x144: {  	[timem:s3], [sflag:s2] =	dma.local @!p0 [hbm:s0], s1  }
0x145: {  	s0 =	simm.s32 @!p0 $0x2  }
0x146: {  	_ =	swait.ge @!p0 [sflag:s0], s1  }
0x147: {  	s1 =	ssub.s32 @!p0 $0x0, s1;
	[sflag:s0] =	ssyncset.done @!p0 $0x0  }
0x148: {  	[sflag:s0] =	ssyncadd.s32 @!p0 s1  }
0x149: {  	[bflag:$0x3] =	sbarrier.arrive $0xFFFF  }
0x14a: {  	_ =	shalt  }

</sc_bundles>
